<compile_context>
chip_gen: v7x
topology: tpu7x:2x2x1
jax: 0.10.2.dev20260603
libtpu: 0.0.44.dev20260713+nightly
codegen_flags: <defaults>
</compile_context>

<pallas_src>
import jax
import jax.numpy as jnp
from jax import lax
from jax.experimental import pallas as pl
from jax.experimental.pallas import tpu as pltpu
from jax.experimental.pallas import tpu_sc as plsc

N = 10000
E = 320000
D = 128
NC = 2
NS = 16
NW = NC * NS
C = 128
NCHUNK = 2560
EPAD = NCHUNK * C
CPT = NCHUNK // NW
NP = 10240
RPT = NP // NS

_MESH = plsc.VectorSubcoreMesh(core_axis_name="c", subcore_axis_name="s",
                               num_cores=NC, num_subcores=NS)
_OUT = jax.ShapeDtypeStruct((NC, NP, D), jnp.float32)

NSLOT = 2
HC = CPT // 2
NQH = HC // NSLOT


def _sc_segment_sum(y, src_r, dst_r, zeros):
  scratch = [
      pltpu.VMEM((HC, C), jnp.int32),
      pltpu.VMEM((HC, C), jnp.int32),
      pltpu.VMEM((NSLOT, C, D), jnp.float32),
      pltpu.VMEM_SHARED((NP, D), jnp.float32),
  ] + [pltpu.SemaphoreType.DMA] * NSLOT

  def body(y_ref, src_ref, dst_ref, z_ref, out_ref, idx_s, idx_d, rows,
           acc_sp, *gsem):
    c = lax.axis_index("c")
    s = lax.axis_index("s")
    pltpu.sync_copy(z_ref, acc_sp.at[pl.ds(s * RPT, RPT)])
    nh = CPT // HC
    base = (c * NS + s) * CPT

    def fire_gather(b, t):
      pltpu.async_copy(y_ref.at[idx_s.at[t]], rows.at[b], gsem[b])

    def drain_gather(b, t):
      pltpu.make_async_copy(y_ref.at[idx_s.at[t]], rows.at[b],
                            gsem[b]).wait()

    plsc.subcore_barrier()

    def half_body(half, carry):
      pltpu.sync_copy(src_ref.at[pl.ds(base + half * HC, HC)], idx_s)
      pltpu.sync_copy(dst_ref.at[pl.ds(base + half * HC, HC)], idx_d)

      for b in range(NSLOT):
        fire_gather(b, b)

      def round_body(q, inner):
        t0 = q * NSLOT
        for b in range(NSLOT):
          drain_gather(b, t0 + b)
          pltpu.sync_copy(rows.at[b], acc_sp.at[idx_d.at[t0 + b]], add=True)
          fire_gather(b, t0 + NSLOT + b)
        return inner

      lax.fori_loop(0, NQH - 1, round_body, 0)

      t0 = (NQH - 1) * NSLOT
      for b in range(NSLOT):
        drain_gather(b, t0 + b)
        pltpu.sync_copy(rows.at[b], acc_sp.at[idx_d.at[t0 + b]], add=True)
      return carry

    lax.fori_loop(0, nh, half_body, 0)

    plsc.subcore_barrier()
    pltpu.sync_copy(acc_sp.at[pl.ds(s * RPT, RPT)],
                    out_ref.at[c, pl.ds(s * RPT, RPT)])

  f = pl.kernel(body, out_type=_OUT, mesh=_MESH, scratch_types=scratch)
  return f(y, src_r, dst_r, zeros)


_DSLOT = 4


def _sc_degree(dst_r, ones, zeros):
  scratch = [
      pltpu.VMEM((CPT, C), jnp.int32),
      pltpu.VMEM((C, D), jnp.float32),
      pltpu.VMEM_SHARED((NP, D), jnp.float32),
  ] + [pltpu.SemaphoreType.DMA] * _DSLOT

  def body(dst_ref, ones_ref, z_ref, out_ref, idx_d, ones_v, acc_sp, *ssem):
    c = lax.axis_index("c")
    s = lax.axis_index("s")
    pltpu.sync_copy(z_ref, acc_sp.at[pl.ds(s * RPT, RPT)])
    pltpu.sync_copy(ones_ref, ones_v)
    wid = c * NS + s
    base = wid * CPT
    pltpu.sync_copy(dst_ref.at[pl.ds(base, CPT)], idx_d)
    plsc.subcore_barrier()

    def quad_body(q, carry):
      t0 = q * _DSLOT
      hs = [pltpu.async_copy(ones_v, acc_sp.at[idx_d.at[t0 + b]],
                             ssem[b], add=True) for b in range(_DSLOT)]
      for h in hs:
        h.wait()
      return carry

    lax.fori_loop(0, CPT // _DSLOT, quad_body, 0)
    plsc.subcore_barrier()
    pltpu.sync_copy(acc_sp.at[pl.ds(s * RPT, RPT)],
                    out_ref.at[c, pl.ds(s * RPT, RPT)])

  f = pl.kernel(body, out_type=_OUT, mesh=_MESH, scratch_types=scratch)
  return f(dst_r, ones, zeros)


_DOT = (((1,), (1,)), ((), ()))
_RB = 1000


def _mm_body(x_ref, w_ref, o_ref):
  o_ref[...] = lax.dot_general(x_ref[...], w_ref[...], _DOT,
                               preferred_element_type=jnp.float32)


def _matmul(x, w):
  return pl.pallas_call(
      _mm_body,
      grid=(N // _RB,),
      in_specs=[pl.BlockSpec((_RB, D), lambda i: (i, 0)),
                pl.BlockSpec((D, D), lambda i: (0, 0))],
      out_specs=pl.BlockSpec((_RB, D), lambda i: (i, 0)),
      out_shape=jax.ShapeDtypeStruct((N, D), jnp.float32),
  )(x, w)


def _degcol_body(dagg_ref, o_ref):
  o_ref[...] = jnp.maximum(dagg_ref[0, :, :1] + dagg_ref[1, :, :1], 1.0)


def _degcol(dagg):
  return pl.pallas_call(
      _degcol_body,
      grid=(N // _RB,),
      in_specs=[pl.BlockSpec((NC, _RB, D), lambda i: (0, i, 0))],
      out_specs=pl.BlockSpec((_RB, 1), lambda i: (i, 0)),
      out_shape=jax.ShapeDtypeStruct((N, 1), jnp.float32),
  )(dagg)


def _mid_body(y_ref, agg_ref, deg_ref, b_ref, w_ref, o_ref):
  a = agg_ref[0] + agg_ref[1]
  h = jnp.maximum(y_ref[...] + a / deg_ref[...] + b_ref[...], 0.0)
  o_ref[...] = lax.dot_general(h, w_ref[...], _DOT,
                               preferred_element_type=jnp.float32)


def _mid(y, agg, deg, b, w):
  return pl.pallas_call(
      _mid_body,
      grid=(N // _RB,),
      in_specs=[pl.BlockSpec((_RB, D), lambda i: (i, 0)),
                pl.BlockSpec((NC, _RB, D), lambda i: (0, i, 0)),
                pl.BlockSpec((_RB, 1), lambda i: (i, 0)),
                pl.BlockSpec((1, D), lambda i: (0, 0)),
                pl.BlockSpec((D, D), lambda i: (0, 0))],
      out_specs=pl.BlockSpec((_RB, D), lambda i: (i, 0)),
      out_shape=jax.ShapeDtypeStruct((N, D), jnp.float32),
  )(y, agg, deg, b, w)


def _fin_body(y_ref, agg_ref, deg_ref, b_ref, o_ref):
  a = agg_ref[0] + agg_ref[1]
  o_ref[...] = y_ref[...] + a / deg_ref[...] + b_ref[...]


def _fin(y, agg, deg, b):
  return pl.pallas_call(
      _fin_body,
      grid=(N // _RB,),
      in_specs=[pl.BlockSpec((_RB, D), lambda i: (i, 0)),
                pl.BlockSpec((NC, _RB, D), lambda i: (0, i, 0)),
                pl.BlockSpec((_RB, 1), lambda i: (i, 0)),
                pl.BlockSpec((1, D), lambda i: (0, 0))],
      out_specs=pl.BlockSpec((_RB, D), lambda i: (i, 0)),
      out_shape=jax.ShapeDtypeStruct((N, D), jnp.float32),
  )(y, agg, deg, b)


def kernel(x, edge_index, W1, b1, W2, b2):
  src = edge_index[0]
  dst = edge_index[1]
  pad_s = jnp.zeros((EPAD - E,), jnp.int32)
  pad_d = jnp.full((EPAD - E,), N, jnp.int32)
  src_r = jnp.concatenate([src, pad_s]).reshape(NCHUNK, C)
  dst_r = jnp.concatenate([dst, pad_d]).reshape(NCHUNK, C)
  zeros = jnp.zeros((RPT, D), jnp.float32)
  ones = jnp.ones((C, D), jnp.float32)

  dagg = _sc_degree(dst_r, ones, zeros)
  deg = _degcol(dagg)
  y1 = _matmul(x, W1)
  agg1 = _sc_segment_sum(y1, src_r, dst_r, zeros)
  y2 = _mid(y1, agg1, deg, b1.reshape(1, D), W2)
  agg2 = _sc_segment_sum(y2, src_r, dst_r, zeros)
  return _fin(y2, agg2, deg, b2.reshape(1, D))

# --- scband reference (transcript-rebuilt; emitter-appended) ---
"""Pipeline reference for scband-encoder-87814901334660 (READ-ONLY COPY).

The authoritative reference and input builder live on the scoring server;
editing this copy changes nothing except your own understanding.
"""

import jax, jax.numpy as jnp
import numpy as np

N = 10000
E = 320000
D_IN = 128
D_H = 128
D_OUT = 128


def setup_inputs(seed: int = 0) -> dict:
    key = jax.random.key(seed)
    k1, k2, k3, k4, k5, k6 = jax.random.split(key, 6)
    x = jax.random.normal(k1, (N, D_IN), dtype=jnp.float32)
    edge_index = jax.random.randint(k2, (2, E), 0, N, dtype=jnp.int32)
    # GINConv apply_func linear layers (torch nn.Linear: y = x @ W.T + b)
    s1 = 1.0 / np.sqrt(D_IN)
    W1 = jax.random.uniform(k3, (D_H, D_IN), dtype=jnp.float32, minval=-s1, maxval=s1)
    b1 = jax.random.uniform(k4, (D_H,), dtype=jnp.float32, minval=-s1, maxval=s1)
    s2 = 1.0 / np.sqrt(D_H)
    W2 = jax.random.uniform(k5, (D_OUT, D_H), dtype=jnp.float32, minval=-s2, maxval=s2)
    b2 = jax.random.uniform(k6, (D_OUT,), dtype=jnp.float32, minval=-s2, maxval=s2)
    return {"x": x, "edge_index": edge_index, "W1": W1, "b1": b1, "W2": W2, "b2": b2}


def _gin_conv_mean(feat, src, dst, W, b):
    # DGL GINConv with aggregator_type='mean', eps=0 (default, non-learnable):
    # rst = apply_func((1 + eps) * feat + mean_{j in N(i)} feat_j)
    msg = feat[src]  # gather source node features per edge
    agg = jax.ops.segment_sum(msg, dst, num_segments=N)
    deg = jax.ops.segment_sum(jnp.ones((src.shape[0],), dtype=feat.dtype), dst, num_segments=N)
    mean_agg = agg / jnp.maximum(deg, 1.0)[:, None]  # zero in-degree nodes get 0
    rst = feat + mean_agg
    return rst @ W.T + b


def reference(x, edge_index, W1, b1, W2, b2):
    src = edge_index[0]
    dst = edge_index[1]
    h = _gin_conv_mean(x, src, dst, W1, b1)
    h = jax.nn.relu(h)
    h = _gin_conv_mean(h, src, dst, W2, b2)
    return h

if __name__ == "__main__":
    import jax
    _d = setup_inputs()
    print(jax.jit(kernel)(*tuple(_d.values())))

</pallas_src>

<mosaic_0001>
#map = affine_map<(d0, d1) -> (0, 0)>
#map1 = affine_map<(d0, d1) -> (0, 0, 0)>
module attributes {stable_mosaic.version = 14 : i64} {
  func.func @body(%arg0: i32, %arg1: i32, %arg2: memref<2560x128xi32, #tpu.memory_space<hbm>>, %arg3: memref<128x128xf32, #tpu.memory_space<hbm>>, %arg4: memref<640x128xf32, #tpu.memory_space<hbm>>, %arg5: memref<2x10240x128xf32, #tpu.memory_space<hbm>>, %arg6: memref<80x128xi32, #tpu.memory_space<vmem>>, %arg7: memref<128x128xf32, #tpu.memory_space<vmem>>, %arg8: memref<10240x128xf32, #tpu.memory_space<vmem_shared>>, %arg9: memref<!tpu.dma_semaphore, #tpu.memory_space<semaphore_mem>>, %arg10: memref<!tpu.dma_semaphore, #tpu.memory_space<semaphore_mem>>, %arg11: memref<!tpu.dma_semaphore, #tpu.memory_space<semaphore_mem>>, %arg12: memref<!tpu.dma_semaphore, #tpu.memory_space<semaphore_mem>>) attributes {dimension_semantics = [#tpu.dimension_semantics<core_parallel>, #tpu.dimension_semantics<subcore_parallel>], iteration_bounds = array<i64: 2, 16>, scalar_prefetch = 0 : i64, scratch_operands = 7 : i64, tpu.core_type = #tpu.core_type<sc_vector_subcore>, window_params = [{transform_indices = #map}, {transform_indices = #map}, {transform_indices = #map}, {transform_indices = #map1}]} {
    %mul3A = arith.constant 640 : i32
    %mul3A_0 = arith.muli %arg1, %mul3A : i32
    "tpu.region"() ({
      %run_scoped3A = tpu.sem_alloc : memref<!tpu.dma_semaphore, #tpu.memory_space<semaphore_mem>>
      %dma_start3A = arith.constant 0 : i32
      %dma_start3A_15 = tpu.memref_slice %arg8[%mul3A_0, %dma_start3A] : memref<10240x128xf32, #tpu.memory_space<vmem_shared>> -> memref<640x128xf32, #tpu.memory_space<vmem_shared>>
      tpu.enqueue_dma source(%arg4 : memref<640x128xf32, #tpu.memory_space<hbm>>) target(%dma_start3A_15 : memref<640x128xf32, #tpu.memory_space<vmem_shared>>) target_semaphore(%run_scoped3A : memref<!tpu.dma_semaphore, #tpu.memory_space<semaphore_mem>>)
      %dma_wait3A = arith.constant 0 : i32
      %dma_wait3A_16 = tpu.memref_slice %arg8[%mul3A_0, %dma_wait3A] : memref<10240x128xf32, #tpu.memory_space<vmem_shared>> -> memref<640x128xf32, #tpu.memory_space<vmem_shared>>
      tpu.wait_dma2 semaphore(%run_scoped3A : memref<!tpu.dma_semaphore, #tpu.memory_space<semaphore_mem>>) src(%arg4 : memref<640x128xf32, #tpu.memory_space<hbm>>) dst(%dma_wait3A_16 : memref<640x128xf32, #tpu.memory_space<vmem_shared>>)
      tpu.yield
    }) : () -> ()
    "tpu.region"() ({
      %run_scoped3A = tpu.sem_alloc : memref<!tpu.dma_semaphore, #tpu.memory_space<semaphore_mem>>
      tpu.enqueue_dma source(%arg3 : memref<128x128xf32, #tpu.memory_space<hbm>>) target(%arg7 : memref<128x128xf32, #tpu.memory_space<vmem>>) target_semaphore(%run_scoped3A : memref<!tpu.dma_semaphore, #tpu.memory_space<semaphore_mem>>)
      tpu.wait_dma2 semaphore(%run_scoped3A : memref<!tpu.dma_semaphore, #tpu.memory_space<semaphore_mem>>) src(%arg3 : memref<128x128xf32, #tpu.memory_space<hbm>>) dst(%arg7 : memref<128x128xf32, #tpu.memory_space<vmem>>)
      tpu.yield
    }) : () -> ()
    %mul3A_1 = arith.constant 16 : i32
    %mul3A_2 = arith.muli %arg0, %mul3A_1 : i32
    %add3A = arith.addi %mul3A_2, %arg1 : i32
    %mul3A_3 = arith.constant 80 : i32
    %mul3A_4 = arith.muli %add3A, %mul3A_3 : i32
    "tpu.region"() ({
      %run_scoped3A = tpu.sem_alloc : memref<!tpu.dma_semaphore, #tpu.memory_space<semaphore_mem>>
      %dma_start3A = arith.constant 0 : i32
      %dma_start3A_15 = tpu.memref_slice %arg2[%mul3A_4, %dma_start3A] : memref<2560x128xi32, #tpu.memory_space<hbm>> -> memref<80x128xi32, #tpu.memory_space<hbm>>
      %dma_start3A_16 = arith.constant 0 : i32
      %dma_start3A_17 = tpu.memref_slice %arg2[%mul3A_4, %dma_start3A_16] : memref<2560x128xi32, #tpu.memory_space<hbm>> -> memref<80x128xi32, #tpu.memory_space<hbm>>
      tpu.enqueue_dma source(%dma_start3A_17 : memref<80x128xi32, #tpu.memory_space<hbm>>) target(%arg6 : memref<80x128xi32, #tpu.memory_space<vmem>>) target_semaphore(%run_scoped3A : memref<!tpu.dma_semaphore, #tpu.memory_space<semaphore_mem>>)
      %dma_wait3A = arith.constant 0 : i32
      %dma_wait3A_18 = tpu.memref_slice %arg2[%mul3A_4, %dma_wait3A] : memref<2560x128xi32, #tpu.memory_space<hbm>> -> memref<80x128xi32, #tpu.memory_space<hbm>>
      %dma_wait3A_19 = arith.constant 0 : i32
      %dma_wait3A_20 = tpu.memref_slice %arg2[%mul3A_4, %dma_wait3A_19] : memref<2560x128xi32, #tpu.memory_space<hbm>> -> memref<80x128xi32, #tpu.memory_space<hbm>>
      tpu.wait_dma2 semaphore(%run_scoped3A : memref<!tpu.dma_semaphore, #tpu.memory_space<semaphore_mem>>) src(%dma_wait3A_20 : memref<80x128xi32, #tpu.memory_space<hbm>>) dst(%arg6 : memref<80x128xi32, #tpu.memory_space<vmem>>)
      tpu.yield
    }) : () -> ()
    %barrier3A = arith.constant 0 : index
    tpu.barrier barrier_id(%barrier3A)
    %scan3A = arith.constant 0 : i32
    %scan3A_5 = arith.constant 0 : i32
    %scan3A_6 = arith.constant 20 : i32
    %scan3A_7 = arith.addi %scan3A_5, %scan3A_6 : i32
    %scan3A_8 = arith.constant 1 : i32
    scf.for %scan3A_15 = %scan3A_5 to %scan3A_7 step %scan3A_8  : i32 {
      %mul3A_16 = arith.constant 4 : i32
      %mul3A_17 = arith.muli %scan3A_15, %mul3A_16 : i32
      %add3A_18 = arith.constant 0 : i32
      %add3A_19 = arith.addi %mul3A_17, %add3A_18 : i32
      %dma_start3A = arith.constant 0 : i32
      %dma_start3A_20 = tpu.memref_slice %arg6[%add3A_19, %dma_start3A] : memref<80x128xi32, #tpu.memory_space<vmem>> -> memref<1x128xi32, #tpu.memory_space<vmem>>
      %dma_start3A_21 = tpu.memref_squeeze %dma_start3A_20 : memref<1x128xi32, #tpu.memory_space<vmem>> -> memref<128xi32, #tpu.memory_space<vmem>>
      %dma_start3A_22 = arith.constant 0 : i32
      %dma_start3A_23 = arith.constant 0 : i32
      %dma_start3A_24 = tpu.memref_slice %arg8[%dma_start3A_22, %dma_start3A_23] : memref<10240x128xf32, #tpu.memory_space<vmem_shared>> -> memref<10240x128xf32, #tpu.memory_space<vmem_shared>>
      tpu.enqueue_indirect_dma source(%arg7 : memref<128x128xf32, #tpu.memory_space<vmem>>) target(%dma_start3A_24 : memref<10240x128xf32, #tpu.memory_space<vmem_shared>>) offsets(%dma_start3A_21 : memref<128xi32, #tpu.memory_space<vmem>>) semaphore(%arg9 : memref<!tpu.dma_semaphore, #tpu.memory_space<semaphore_mem>>) {add = true}
      %add3A_25 = arith.constant 1 : i32
      %add3A_26 = arith.addi %mul3A_17, %add3A_25 : i32
      %dma_start3A_27 = arith.constant 0 : i32
      %dma_start3A_28 = tpu.memref_slice %arg6[%add3A_26, %dma_start3A_27] : memref<80x128xi32, #tpu.memory_space<vmem>> -> memref<1x128xi32, #tpu.memory_space<vmem>>
      %dma_start3A_29 = tpu.memref_squeeze %dma_start3A_28 : memref<1x128xi32, #tpu.memory_space<vmem>> -> memref<128xi32, #tpu.memory_space<vmem>>
      %dma_start3A_30 = arith.constant 0 : i32
      %dma_start3A_31 = arith.constant 0 : i32
      %dma_start3A_32 = tpu.memref_slice %arg8[%dma_start3A_30, %dma_start3A_31] : memref<10240x128xf32, #tpu.memory_space<vmem_shared>> -> memref<10240x128xf32, #tpu.memory_space<vmem_shared>>
      tpu.enqueue_indirect_dma source(%arg7 : memref<128x128xf32, #tpu.memory_space<vmem>>) target(%dma_start3A_32 : memref<10240x128xf32, #tpu.memory_space<vmem_shared>>) offsets(%dma_start3A_29 : memref<128xi32, #tpu.memory_space<vmem>>) semaphore(%arg10 : memref<!tpu.dma_semaphore, #tpu.memory_space<semaphore_mem>>) {add = true}
      %add3A_33 = arith.constant 2 : i32
      %add3A_34 = arith.addi %mul3A_17, %add3A_33 : i32
      %dma_start3A_35 = arith.constant 0 : i32
      %dma_start3A_36 = tpu.memref_slice %arg6[%add3A_34, %dma_start3A_35] : memref<80x128xi32, #tpu.memory_space<vmem>> -> memref<1x128xi32, #tpu.memory_space<vmem>>
      %dma_start3A_37 = tpu.memref_squeeze %dma_start3A_36 : memref<1x128xi32, #tpu.memory_space<vmem>> -> memref<128xi32, #tpu.memory_space<vmem>>
      %dma_start3A_38 = arith.constant 0 : i32
      %dma_start3A_39 = arith.constant 0 : i32
      %dma_start3A_40 = tpu.memref_slice %arg8[%dma_start3A_38, %dma_start3A_39] : memref<10240x128xf32, #tpu.memory_space<vmem_shared>> -> memref<10240x128xf32, #tpu.memory_space<vmem_shared>>
      tpu.enqueue_indirect_dma source(%arg7 : memref<128x128xf32, #tpu.memory_space<vmem>>) target(%dma_start3A_40 : memref<10240x128xf32, #tpu.memory_space<vmem_shared>>) offsets(%dma_start3A_37 : memref<128xi32, #tpu.memory_space<vmem>>) semaphore(%arg11 : memref<!tpu.dma_semaphore, #tpu.memory_space<semaphore_mem>>) {add = true}
      %add3A_41 = arith.constant 3 : i32
      %add3A_42 = arith.addi %mul3A_17, %add3A_41 : i32
      %dma_start3A_43 = arith.constant 0 : i32
      %dma_start3A_44 = tpu.memref_slice %arg6[%add3A_42, %dma_start3A_43] : memref<80x128xi32, #tpu.memory_space<vmem>> -> memref<1x128xi32, #tpu.memory_space<vmem>>
      %dma_start3A_45 = tpu.memref_squeeze %dma_start3A_44 : memref<1x128xi32, #tpu.memory_space<vmem>> -> memref<128xi32, #tpu.memory_space<vmem>>
      %dma_start3A_46 = arith.constant 0 : i32
      %dma_start3A_47 = arith.constant 0 : i32
      %dma_start3A_48 = tpu.memref_slice %arg8[%dma_start3A_46, %dma_start3A_47] : memref<10240x128xf32, #tpu.memory_space<vmem_shared>> -> memref<10240x128xf32, #tpu.memory_space<vmem_shared>>
      tpu.enqueue_indirect_dma source(%arg7 : memref<128x128xf32, #tpu.memory_space<vmem>>) target(%dma_start3A_48 : memref<10240x128xf32, #tpu.memory_space<vmem_shared>>) offsets(%dma_start3A_45 : memref<128xi32, #tpu.memory_space<vmem>>) semaphore(%arg12 : memref<!tpu.dma_semaphore, #tpu.memory_space<semaphore_mem>>) {add = true}
      %dma_wait3A = arith.constant 0 : i32
      %dma_wait3A_49 = tpu.memref_slice %arg6[%add3A_19, %dma_wait3A] : memref<80x128xi32, #tpu.memory_space<vmem>> -> memref<1x128xi32, #tpu.memory_space<vmem>>
      %dma_wait3A_50 = tpu.memref_squeeze %dma_wait3A_49 : memref<1x128xi32, #tpu.memory_space<vmem>> -> memref<128xi32, #tpu.memory_space<vmem>>
      %dma_wait3A_51 = arith.constant 0 : i32
      %dma_wait3A_52 = arith.constant 0 : i32
      %dma_wait3A_53 = tpu.memref_slice %arg8[%dma_wait3A_51, %dma_wait3A_52] : memref<10240x128xf32, #tpu.memory_space<vmem_shared>> -> memref<10240x128xf32, #tpu.memory_space<vmem_shared>>
      tpu.wait_indirect_dma semaphore(%arg9 : memref<!tpu.dma_semaphore, #tpu.memory_space<semaphore_mem>>) src(%arg7 : memref<128x128xf32, #tpu.memory_space<vmem>>) dst(%dma_wait3A_53 : memref<10240x128xf32, #tpu.memory_space<vmem_shared>>)
      %dma_wait3A_54 = arith.constant 0 : i32
      %dma_wait3A_55 = tpu.memref_slice %arg6[%add3A_26, %dma_wait3A_54] : memref<80x128xi32, #tpu.memory_space<vmem>> -> memref<1x128xi32, #tpu.memory_space<vmem>>
      %dma_wait3A_56 = tpu.memref_squeeze %dma_wait3A_55 : memref<1x128xi32, #tpu.memory_space<vmem>> -> memref<128xi32, #tpu.memory_space<vmem>>
      %dma_wait3A_57 = arith.constant 0 : i32
      %dma_wait3A_58 = arith.constant 0 : i32
      %dma_wait3A_59 = tpu.memref_slice %arg8[%dma_wait3A_57, %dma_wait3A_58] : memref<10240x128xf32, #tpu.memory_space<vmem_shared>> -> memref<10240x128xf32, #tpu.memory_space<vmem_shared>>
      tpu.wait_indirect_dma semaphore(%arg10 : memref<!tpu.dma_semaphore, #tpu.memory_space<semaphore_mem>>) src(%arg7 : memref<128x128xf32, #tpu.memory_space<vmem>>) dst(%dma_wait3A_59 : memref<10240x128xf32, #tpu.memory_space<vmem_shared>>)
      %dma_wait3A_60 = arith.constant 0 : i32
      %dma_wait3A_61 = tpu.memref_slice %arg6[%add3A_34, %dma_wait3A_60] : memref<80x128xi32, #tpu.memory_space<vmem>> -> memref<1x128xi32, #tpu.memory_space<vmem>>
      %dma_wait3A_62 = tpu.memref_squeeze %dma_wait3A_61 : memref<1x128xi32, #tpu.memory_space<vmem>> -> memref<128xi32, #tpu.memory_space<vmem>>
      %dma_wait3A_63 = arith.constant 0 : i32
      %dma_wait3A_64 = arith.constant 0 : i32
      %dma_wait3A_65 = tpu.memref_slice %arg8[%dma_wait3A_63, %dma_wait3A_64] : memref<10240x128xf32, #tpu.memory_space<vmem_shared>> -> memref<10240x128xf32, #tpu.memory_space<vmem_shared>>
      tpu.wait_indirect_dma semaphore(%arg11 : memref<!tpu.dma_semaphore, #tpu.memory_space<semaphore_mem>>) src(%arg7 : memref<128x128xf32, #tpu.memory_space<vmem>>) dst(%dma_wait3A_65 : memref<10240x128xf32, #tpu.memory_space<vmem_shared>>)
      %dma_wait3A_66 = arith.constant 0 : i32
      %dma_wait3A_67 = tpu.memref_slice %arg6[%add3A_42, %dma_wait3A_66] : memref<80x128xi32, #tpu.memory_space<vmem>> -> memref<1x128xi32, #tpu.memory_space<vmem>>
      %dma_wait3A_68 = tpu.memref_squeeze %dma_wait3A_67 : memref<1x128xi32, #tpu.memory_space<vmem>> -> memref<128xi32, #tpu.memory_space<vmem>>
      %dma_wait3A_69 = arith.constant 0 : i32
      %dma_wait3A_70 = arith.constant 0 : i32
      %dma_wait3A_71 = tpu.memref_slice %arg8[%dma_wait3A_69, %dma_wait3A_70] : memref<10240x128xf32, #tpu.memory_space<vmem_shared>> -> memref<10240x128xf32, #tpu.memory_space<vmem_shared>>
      tpu.wait_indirect_dma semaphore(%arg12 : memref<!tpu.dma_semaphore, #tpu.memory_space<semaphore_mem>>) src(%arg7 : memref<128x128xf32, #tpu.memory_space<vmem>>) dst(%dma_wait3A_71 : memref<10240x128xf32, #tpu.memory_space<vmem_shared>>)
    }
    %scan3A_9 = arith.constant 20 : i32
    %barrier3A_10 = arith.constant 0 : index
    tpu.barrier barrier_id(%barrier3A_10)
    %mul3A_11 = arith.constant 640 : i32
    %mul3A_12 = arith.muli %arg1, %mul3A_11 : i32
    %mul3A_13 = arith.constant 640 : i32
    %mul3A_14 = arith.muli %arg1, %mul3A_13 : i32
    "tpu.region"() ({
      %run_scoped3A = tpu.sem_alloc : memref<!tpu.dma_semaphore, #tpu.memory_space<semaphore_mem>>
      %dma_start3A = arith.constant 0 : i32
      %dma_start3A_15 = tpu.memref_slice %arg5[%arg0, %mul3A_14, %dma_start3A] : memref<2x10240x128xf32, #tpu.memory_space<hbm>> -> memref<1x640x128xf32, #tpu.memory_space<hbm>>
      %dma_start3A_16 = tpu.memref_squeeze %dma_start3A_15 : memref<1x640x128xf32, #tpu.memory_space<hbm>> -> memref<640x128xf32, #tpu.memory_space<hbm>>
      %dma_start3A_17 = arith.constant 0 : i32
      %dma_start3A_18 = tpu.memref_slice %arg8[%mul3A_12, %dma_start3A_17] : memref<10240x128xf32, #tpu.memory_space<vmem_shared>> -> memref<640x128xf32, #tpu.memory_space<vmem_shared>>
      tpu.enqueue_dma source(%dma_start3A_18 : memref<640x128xf32, #tpu.memory_space<vmem_shared>>) target(%dma_start3A_16 : memref<640x128xf32, #tpu.memory_space<hbm>>) target_semaphore(%run_scoped3A : memref<!tpu.dma_semaphore, #tpu.memory_space<semaphore_mem>>)
      %dma_wait3A = arith.constant 0 : i32
      %dma_wait3A_19 = tpu.memref_slice %arg5[%arg0, %mul3A_14, %dma_wait3A] : memref<2x10240x128xf32, #tpu.memory_space<hbm>> -> memref<1x640x128xf32, #tpu.memory_space<hbm>>
      %dma_wait3A_20 = tpu.memref_squeeze %dma_wait3A_19 : memref<1x640x128xf32, #tpu.memory_space<hbm>> -> memref<640x128xf32, #tpu.memory_space<hbm>>
      %dma_wait3A_21 = arith.constant 0 : i32
      %dma_wait3A_22 = tpu.memref_slice %arg8[%mul3A_12, %dma_wait3A_21] : memref<10240x128xf32, #tpu.memory_space<vmem_shared>> -> memref<640x128xf32, #tpu.memory_space<vmem_shared>>
      tpu.wait_dma2 semaphore(%run_scoped3A : memref<!tpu.dma_semaphore, #tpu.memory_space<semaphore_mem>>) src(%dma_wait3A_22 : memref<640x128xf32, #tpu.memory_space<vmem_shared>>) dst(%dma_wait3A_20 : memref<640x128xf32, #tpu.memory_space<hbm>>)
      tpu.yield
    }) : () -> ()
    return
  }
}

#map = affine_map<(d0, d1) -> (0, 0)>
#map1 = affine_map<(d0, d1) -> (0, 0, 0)>
module attributes {stable_mosaic.version = 14 : i64} {
  func.func @body(%arg0: i32, %arg1: i32, %arg2: memref<10000x128xf32, #tpu.memory_space<hbm>>, %arg3: memref<2560x128xi32, #tpu.memory_space<hbm>>, %arg4: memref<2560x128xi32, #tpu.memory_space<hbm>>, %arg5: memref<640x128xf32, #tpu.memory_space<hbm>>, %arg6: memref<2x10240x128xf32, #tpu.memory_space<hbm>>, %arg7: memref<40x128xi32, #tpu.memory_space<vmem>>, %arg8: memref<40x128xi32, #tpu.memory_space<vmem>>, %arg9: memref<2x128x128xf32, #tpu.memory_space<vmem>>, %arg10: memref<10240x128xf32, #tpu.memory_space<vmem_shared>>, %arg11: memref<!tpu.dma_semaphore, #tpu.memory_space<semaphore_mem>>, %arg12: memref<!tpu.dma_semaphore, #tpu.memory_space<semaphore_mem>>) attributes {dimension_semantics = [#tpu.dimension_semantics<core_parallel>, #tpu.dimension_semantics<subcore_parallel>], iteration_bounds = array<i64: 2, 16>, scalar_prefetch = 0 : i64, scratch_operands = 6 : i64, tpu.core_type = #tpu.core_type<sc_vector_subcore>, window_params = [{transform_indices = #map}, {transform_indices = #map}, {transform_indices = #map}, {transform_indices = #map}, {transform_indices = #map1}]} {
    %mul3A = arith.constant 640 : i32
    %mul3A_0 = arith.muli %arg1, %mul3A : i32
    "tpu.region"() ({
      %run_scoped3A = tpu.sem_alloc : memref<!tpu.dma_semaphore, #tpu.memory_space<semaphore_mem>>
      %dma_start3A = arith.constant 0 : i32
      %dma_start3A_15 = tpu.memref_slice %arg10[%mul3A_0, %dma_start3A] : memref<10240x128xf32, #tpu.memory_space<vmem_shared>> -> memref<640x128xf32, #tpu.memory_space<vmem_shared>>
      tpu.enqueue_dma source(%arg5 : memref<640x128xf32, #tpu.memory_space<hbm>>) target(%dma_start3A_15 : memref<640x128xf32, #tpu.memory_space<vmem_shared>>) target_semaphore(%run_scoped3A : memref<!tpu.dma_semaphore, #tpu.memory_space<semaphore_mem>>)
      %dma_wait3A = arith.constant 0 : i32
      %dma_wait3A_16 = tpu.memref_slice %arg10[%mul3A_0, %dma_wait3A] : memref<10240x128xf32, #tpu.memory_space<vmem_shared>> -> memref<640x128xf32, #tpu.memory_space<vmem_shared>>
      tpu.wait_dma2 semaphore(%run_scoped3A : memref<!tpu.dma_semaphore, #tpu.memory_space<semaphore_mem>>) src(%arg5 : memref<640x128xf32, #tpu.memory_space<hbm>>) dst(%dma_wait3A_16 : memref<640x128xf32, #tpu.memory_space<vmem_shared>>)
      tpu.yield
    }) : () -> ()
    %mul3A_1 = arith.constant 16 : i32
    %mul3A_2 = arith.muli %arg0, %mul3A_1 : i32
    %add3A = arith.addi %mul3A_2, %arg1 : i32
    %mul3A_3 = arith.constant 80 : i32
    %mul3A_4 = arith.muli %add3A, %mul3A_3 : i32
    %barrier3A = arith.constant 0 : index
    tpu.barrier barrier_id(%barrier3A)
    %scan3A = arith.constant 0 : i32
    %scan3A_5 = arith.constant 0 : i32
    %scan3A_6 = arith.constant 2 : i32
    %scan3A_7 = arith.addi %scan3A_5, %scan3A_6 : i32
    %scan3A_8 = arith.constant 1 : i32
    scf.for %scan3A_15 = %scan3A_5 to %scan3A_7 step %scan3A_8  : i32 {
      %mul3A_16 = arith.constant 40 : i32
      %mul3A_17 = arith.muli %scan3A_15, %mul3A_16 : i32
      %add3A_18 = arith.addi %mul3A_4, %mul3A_17 : i32
      "tpu.region"() ({
        %run_scoped3A_77 = tpu.sem_alloc : memref<!tpu.dma_semaphore, #tpu.memory_space<semaphore_mem>>
        %dma_start3A_78 = arith.constant 0 : i32
        %dma_start3A_79 = tpu.memref_slice %arg3[%add3A_18, %dma_start3A_78] : memref<2560x128xi32, #tpu.memory_space<hbm>> -> memref<40x128xi32, #tpu.memory_space<hbm>>
        %dma_start3A_80 = arith.constant 0 : i32
        %dma_start3A_81 = tpu.memref_slice %arg3[%add3A_18, %dma_start3A_80] : memref<2560x128xi32, #tpu.memory_space<hbm>> -> memref<40x128xi32, #tpu.memory_space<hbm>>
        tpu.enqueue_dma source(%dma_start3A_81 : memref<40x128xi32, #tpu.memory_space<hbm>>) target(%arg7 : memref<40x128xi32, #tpu.memory_space<vmem>>) target_semaphore(%run_scoped3A_77 : memref<!tpu.dma_semaphore, #tpu.memory_space<semaphore_mem>>)
        %dma_wait3A_82 = arith.constant 0 : i32
        %dma_wait3A_83 = tpu.memref_slice %arg3[%add3A_18, %dma_wait3A_82] : memref<2560x128xi32, #tpu.memory_space<hbm>> -> memref<40x128xi32, #tpu.memory_space<hbm>>
        %dma_wait3A_84 = arith.constant 0 : i32
        %dma_wait3A_85 = tpu.memref_slice %arg3[%add3A_18, %dma_wait3A_84] : memref<2560x128xi32, #tpu.memory_space<hbm>> -> memref<40x128xi32, #tpu.memory_space<hbm>>
        tpu.wait_dma2 semaphore(%run_scoped3A_77 : memref<!tpu.dma_semaphore, #tpu.memory_space<semaphore_mem>>) src(%dma_wait3A_85 : memref<40x128xi32, #tpu.memory_space<hbm>>) dst(%arg7 : memref<40x128xi32, #tpu.memory_space<vmem>>)
        tpu.yield
      }) : () -> ()
      %mul3A_19 = arith.constant 40 : i32
      %mul3A_20 = arith.muli %scan3A_15, %mul3A_19 : i32
      %add3A_21 = arith.addi %mul3A_4, %mul3A_20 : i32
      "tpu.region"() ({
        %run_scoped3A_77 = tpu.sem_alloc : memref<!tpu.dma_semaphore, #tpu.memory_space<semaphore_mem>>
        %dma_start3A_78 = arith.constant 0 : i32
        %dma_start3A_79 = tpu.memref_slice %arg4[%add3A_21, %dma_start3A_78] : memref<2560x128xi32, #tpu.memory_space<hbm>> -> memref<40x128xi32, #tpu.memory_space<hbm>>
        %dma_start3A_80 = arith.constant 0 : i32
        %dma_start3A_81 = tpu.memref_slice %arg4[%add3A_21, %dma_start3A_80] : memref<2560x128xi32, #tpu.memory_space<hbm>> -> memref<40x128xi32, #tpu.memory_space<hbm>>
        tpu.enqueue_dma source(%dma_start3A_81 : memref<40x128xi32, #tpu.memory_space<hbm>>) target(%arg8 : memref<40x128xi32, #tpu.memory_space<vmem>>) target_semaphore(%run_scoped3A_77 : memref<!tpu.dma_semaphore, #tpu.memory_space<semaphore_mem>>)
        %dma_wait3A_82 = arith.constant 0 : i32
        %dma_wait3A_83 = tpu.memref_slice %arg4[%add3A_21, %dma_wait3A_82] : memref<2560x128xi32, #tpu.memory_space<hbm>> -> memref<40x128xi32, #tpu.memory_space<hbm>>
        %dma_wait3A_84 = arith.constant 0 : i32
        %dma_wait3A_85 = tpu.memref_slice %arg4[%add3A_21, %dma_wait3A_84] : memref<2560x128xi32, #tpu.memory_space<hbm>> -> memref<40x128xi32, #tpu.memory_space<hbm>>
        tpu.wait_dma2 semaphore(%run_scoped3A_77 : memref<!tpu.dma_semaphore, #tpu.memory_space<semaphore_mem>>) src(%dma_wait3A_85 : memref<40x128xi32, #tpu.memory_space<hbm>>) dst(%arg8 : memref<40x128xi32, #tpu.memory_space<vmem>>)
        tpu.yield
      }) : () -> ()
      %dma_start3A = arith.constant 0 : i32
      %dma_start3A_22 = arith.constant 0 : i32
      %dma_start3A_23 = arith.constant 0 : i32
      %dma_start3A_24 = arith.constant 0 : i32
      %dma_start3A_25 = tpu.memref_slice %arg9[%dma_start3A_22, %dma_start3A_23, %dma_start3A_24] : memref<2x128x128xf32, #tpu.memory_space<vmem>> -> memref<1x128x128xf32, #tpu.memory_space<vmem>>
      %dma_start3A_26 = tpu.memref_squeeze %dma_start3A_25 : memref<1x128x128xf32, #tpu.memory_space<vmem>> -> memref<128x128xf32, #tpu.memory_space<vmem>>
      %dma_start3A_27 = arith.constant 0 : i32
      %dma_start3A_28 = tpu.memref_slice %arg7[%dma_start3A, %dma_start3A_27] : memref<40x128xi32, #tpu.memory_space<vmem>> -> memref<1x128xi32, #tpu.memory_space<vmem>>
      %dma_start3A_29 = tpu.memref_squeeze %dma_start3A_28 : memref<1x128xi32, #tpu.memory_space<vmem>> -> memref<128xi32, #tpu.memory_space<vmem>>
      %dma_start3A_30 = arith.constant 0 : i32
      %dma_start3A_31 = arith.constant 0 : i32
      %dma_start3A_32 = tpu.memref_slice %arg2[%dma_start3A_30, %dma_start3A_31] : memref<10000x128xf32, #tpu.memory_space<hbm>> -> memref<10000x128xf32, #tpu.memory_space<hbm>>
      tpu.enqueue_indirect_dma source(%dma_start3A_32 : memref<10000x128xf32, #tpu.memory_space<hbm>>) target(%dma_start3A_26 : memref<128x128xf32, #tpu.memory_space<vmem>>) offsets(%dma_start3A_29 : memref<128xi32, #tpu.memory_space<vmem>>) semaphore(%arg11 : memref<!tpu.dma_semaphore, #tpu.memory_space<semaphore_mem>>)
      %dma_start3A_33 = arith.constant 1 : i32
      %dma_start3A_34 = arith.constant 1 : i32
      %dma_start3A_35 = arith.constant 0 : i32
      %dma_start3A_36 = arith.constant 0 : i32
      %dma_start3A_37 = tpu.memref_slice %arg9[%dma_start3A_34, %dma_start3A_35, %dma_start3A_36] : memref<2x128x128xf32, #tpu.memory_space<vmem>> -> memref<1x128x128xf32, #tpu.memory_space<vmem>>
      %dma_start3A_38 = tpu.memref_squeeze %dma_start3A_37 : memref<1x128x128xf32, #tpu.memory_space<vmem>> -> memref<128x128xf32, #tpu.memory_space<vmem>>
      %dma_start3A_39 = arith.constant 0 : i32
      %dma_start3A_40 = tpu.memref_slice %arg7[%dma_start3A_33, %dma_start3A_39] : memref<40x128xi32, #tpu.memory_space<vmem>> -> memref<1x128xi32, #tpu.memory_space<vmem>>
      %dma_start3A_41 = tpu.memref_squeeze %dma_start3A_40 : memref<1x128xi32, #tpu.memory_space<vmem>> -> memref<128xi32, #tpu.memory_space<vmem>>
      %dma_start3A_42 = arith.constant 0 : i32
      %dma_start3A_43 = arith.constant 0 : i32
      %dma_start3A_44 = tpu.memref_slice %arg2[%dma_start3A_42, %dma_start3A_43] : memref<10000x128xf32, #tpu.memory_space<hbm>> -> memref<10000x128xf32, #tpu.memory_space<hbm>>
      tpu.enqueue_indirect_dma source(%dma_start3A_44 : memref<10000x128xf32, #tpu.memory_space<hbm>>) target(%dma_start3A_38 : memref<128x128xf32, #tpu.memory_space<vmem>>) offsets(%dma_start3A_41 : memref<128xi32, #tpu.memory_space<vmem>>) semaphore(%arg12 : memref<!tpu.dma_semaphore, #tpu.memory_space<semaphore_mem>>)
      %scan3A_45 = arith.constant 0 : i32
      %scan3A_46 = arith.constant 0 : i32
      %scan3A_47 = arith.constant 19 : i32
      %scan3A_48 = arith.addi %scan3A_46, %scan3A_47 : i32
      %scan3A_49 = arith.constant 1 : i32
      scf.for %scan3A_77 = %scan3A_46 to %scan3A_48 step %scan3A_49  : i32 {
        %mul3A_78 = arith.constant 2 : i32
        %mul3A_79 = arith.muli %scan3A_77, %mul3A_78 : i32
        %add3A_80 = arith.constant 0 : i32
        %add3A_81 = arith.addi %mul3A_79, %add3A_80 : i32
        %dma_wait3A_82 = arith.constant 0 : i32
        %dma_wait3A_83 = arith.constant 0 : i32
        %dma_wait3A_84 = arith.constant 0 : i32
        %dma_wait3A_85 = tpu.memref_slice %arg9[%dma_wait3A_82, %dma_wait3A_83, %dma_wait3A_84] : memref<2x128x128xf32, #tpu.memory_space<vmem>> -> memref<1x128x128xf32, #tpu.memory_space<vmem>>
        %dma_wait3A_86 = tpu.memref_squeeze %dma_wait3A_85 : memref<1x128x128xf32, #tpu.memory_space<vmem>> -> memref<128x128xf32, #tpu.memory_space<vmem>>
        %dma_wait3A_87 = arith.constant 0 : i32
        %dma_wait3A_88 = tpu.memref_slice %arg7[%add3A_81, %dma_wait3A_87] : memref<40x128xi32, #tpu.memory_space<vmem>> -> memref<1x128xi32, #tpu.memory_space<vmem>>
        %dma_wait3A_89 = tpu.memref_squeeze %dma_wait3A_88 : memref<1x128xi32, #tpu.memory_space<vmem>> -> memref<128xi32, #tpu.memory_space<vmem>>
        %dma_wait3A_90 = arith.constant 0 : i32
        %dma_wait3A_91 = arith.constant 0 : i32
        %dma_wait3A_92 = tpu.memref_slice %arg2[%dma_wait3A_90, %dma_wait3A_91] : memref<10000x128xf32, #tpu.memory_space<hbm>> -> memref<10000x128xf32, #tpu.memory_space<hbm>>
        tpu.wait_indirect_dma semaphore(%arg11 : memref<!tpu.dma_semaphore, #tpu.memory_space<semaphore_mem>>) src(%dma_wait3A_92 : memref<10000x128xf32, #tpu.memory_space<hbm>>) dst(%dma_wait3A_86 : memref<128x128xf32, #tpu.memory_space<vmem>>)
        %add3A_93 = arith.constant 0 : i32
        %add3A_94 = arith.addi %mul3A_79, %add3A_93 : i32
        %run_scoped3A_95 = arith.constant 0 : i32
        "tpu.region"() ({
          %run_scoped3A_142 = tpu.sem_alloc : memref<!tpu.dma_semaphore, #tpu.memory_space<semaphore_mem>>
          %dma_start3A_143 = arith.constant 0 : i32
          %dma_start3A_144 = arith.constant 0 : i32
          %dma_start3A_145 = tpu.memref_slice %arg9[%run_scoped3A_95, %dma_start3A_143, %dma_start3A_144] : memref<2x128x128xf32, #tpu.memory_space<vmem>> -> memref<1x128x128xf32, #tpu.memory_space<vmem>>
          %dma_start3A_146 = tpu.memref_squeeze %dma_start3A_145 : memref<1x128x128xf32, #tpu.memory_space<vmem>> -> memref<128x128xf32, #tpu.memory_space<vmem>>
          %dma_start3A_147 = arith.constant 0 : i32
          %dma_start3A_148 = tpu.memref_slice %arg8[%add3A_94, %dma_start3A_147] : memref<40x128xi32, #tpu.memory_space<vmem>> -> memref<1x128xi32, #tpu.memory_space<vmem>>
          %dma_start3A_149 = tpu.memref_squeeze %dma_start3A_148 : memref<1x128xi32, #tpu.memory_space<vmem>> -> memref<128xi32, #tpu.memory_space<vmem>>
          %dma_start3A_150 = arith.constant 0 : i32
          %dma_start3A_151 = arith.constant 0 : i32
          %dma_start3A_152 = tpu.memref_slice %arg10[%dma_start3A_150, %dma_start3A_151] : memref<10240x128xf32, #tpu.memory_space<vmem_shared>> -> memref<10240x128xf32, #tpu.memory_space<vmem_shared>>
          tpu.enqueue_indirect_dma source(%dma_start3A_146 : memref<128x128xf32, #tpu.memory_space<vmem>>) target(%dma_start3A_152 : memref<10240x128xf32, #tpu.memory_space<vmem_shared>>) offsets(%dma_start3A_149 : memref<128xi32, #tpu.memory_space<vmem>>) semaphore(%run_scoped3A_142 : memref<!tpu.dma_semaphore, #tpu.memory_space<semaphore_mem>>) {add = true}
          %dma_wait3A_153 = arith.constant 0 : i32
          %dma_wait3A_154 = arith.constant 0 : i32
          %dma_wait3A_155 = tpu.memref_slice %arg9[%run_scoped3A_95, %dma_wait3A_153, %dma_wait3A_154] : memref<2x128x128xf32, #tpu.memory_space<vmem>> -> memref<1x128x128xf32, #tpu.memory_space<vmem>>
          %dma_wait3A_156 = tpu.memref_squeeze %dma_wait3A_155 : memref<1x128x128xf32, #tpu.memory_space<vmem>> -> memref<128x128xf32, #tpu.memory_space<vmem>>
          %dma_wait3A_157 = arith.constant 0 : i32
          %dma_wait3A_158 = tpu.memref_slice %arg8[%add3A_94, %dma_wait3A_157] : memref<40x128xi32, #tpu.memory_space<vmem>> -> memref<1x128xi32, #tpu.memory_space<vmem>>
          %dma_wait3A_159 = tpu.memref_squeeze %dma_wait3A_158 : memref<1x128xi32, #tpu.memory_space<vmem>> -> memref<128xi32, #tpu.memory_space<vmem>>
          %dma_wait3A_160 = arith.constant 0 : i32
          %dma_wait3A_161 = arith.constant 0 : i32
          %dma_wait3A_162 = tpu.memref_slice %arg10[%dma_wait3A_160, %dma_wait3A_161] : memref<10240x128xf32, #tpu.memory_space<vmem_shared>> -> memref<10240x128xf32, #tpu.memory_space<vmem_shared>>
          tpu.wait_indirect_dma semaphore(%run_scoped3A_142 : memref<!tpu.dma_semaphore, #tpu.memory_space<semaphore_mem>>) src(%dma_wait3A_156 : memref<128x128xf32, #tpu.memory_space<vmem>>) dst(%dma_wait3A_162 : memref<10240x128xf32, #tpu.memory_space<vmem_shared>>)
          tpu.yield
        }) : () -> ()
        %add3A_96 = arith.constant 2 : i32
        %add3A_97 = arith.addi %mul3A_79, %add3A_96 : i32
        %add3A_98 = arith.constant 0 : i32
        %add3A_99 = arith.addi %add3A_97, %add3A_98 : i32
        %dma_start3A_100 = arith.constant 0 : i32
        %dma_start3A_101 = arith.constant 0 : i32
        %dma_start3A_102 = arith.constant 0 : i32
        %dma_start3A_103 = tpu.memref_slice %arg9[%dma_start3A_100, %dma_start3A_101, %dma_start3A_102] : memref<2x128x128xf32, #tpu.memory_space<vmem>> -> memref<1x128x128xf32, #tpu.memory_space<vmem>>
        %dma_start3A_104 = tpu.memref_squeeze %dma_start3A_103 : memref<1x128x128xf32, #tpu.memory_space<vmem>> -> memref<128x128xf32, #tpu.memory_space<vmem>>
        %dma_start3A_105 = arith.constant 0 : i32
        %dma_start3A_106 = tpu.memref_slice %arg7[%add3A_99, %dma_start3A_105] : memref<40x128xi32, #tpu.memory_space<vmem>> -> memref<1x128xi32, #tpu.memory_space<vmem>>
        %dma_start3A_107 = tpu.memref_squeeze %dma_start3A_106 : memref<1x128xi32, #tpu.memory_space<vmem>> -> memref<128xi32, #tpu.memory_space<vmem>>
        %dma_start3A_108 = arith.constant 0 : i32
        %dma_start3A_109 = arith.constant 0 : i32
        %dma_start3A_110 = tpu.memref_slice %arg2[%dma_start3A_108, %dma_start3A_109] : memref<10000x128xf32, #tpu.memory_space<hbm>> -> memref<10000x128xf32, #tpu.memory_space<hbm>>
        tpu.enqueue_indirect_dma source(%dma_start3A_110 : memref<10000x128xf32, #tpu.memory_space<hbm>>) target(%dma_start3A_104 : memref<128x128xf32, #tpu.memory_space<vmem>>) offsets(%dma_start3A_107 : memref<128xi32, #tpu.memory_space<vmem>>) semaphore(%arg11 : memref<!tpu.dma_semaphore, #tpu.memory_space<semaphore_mem>>)
        %add3A_111 = arith.constant 1 : i32
        %add3A_112 = arith.addi %mul3A_79, %add3A_111 : i32
        %dma_wait3A_113 = arith.constant 1 : i32
        %dma_wait3A_114 = arith.constant 0 : i32
        %dma_wait3A_115 = arith.constant 0 : i32
        %dma_wait3A_116 = tpu.memref_slice %arg9[%dma_wait3A_113, %dma_wait3A_114, %dma_wait3A_115] : memref<2x128x128xf32, #tpu.memory_space<vmem>> -> memref<1x128x128xf32, #tpu.memory_space<vmem>>
        %dma_wait3A_117 = tpu.memref_squeeze %dma_wait3A_116 : memref<1x128x128xf32, #tpu.memory_space<vmem>> -> memref<128x128xf32, #tpu.memory_space<vmem>>
        %dma_wait3A_118 = arith.constant 0 : i32
        %dma_wait3A_119 = tpu.memref_slice %arg7[%add3A_112, %dma_wait3A_118] : memref<40x128xi32, #tpu.memory_space<vmem>> -> memref<1x128xi32, #tpu.memory_space<vmem>>
        %dma_wait3A_120 = tpu.memref_squeeze %dma_wait3A_119 : memref<1x128xi32, #tpu.memory_space<vmem>> -> memref<128xi32, #tpu.memory_space<vmem>>
        %dma_wait3A_121 = arith.constant 0 : i32
        %dma_wait3A_122 = arith.constant 0 : i32
        %dma_wait3A_123 = tpu.memref_slice %arg2[%dma_wait3A_121, %dma_wait3A_122] : memref<10000x128xf32, #tpu.memory_space<hbm>> -> memref<10000x128xf32, #tpu.memory_space<hbm>>
        tpu.wait_indirect_dma semaphore(%arg12 : memref<!tpu.dma_semaphore, #tpu.memory_space<semaphore_mem>>) src(%dma_wait3A_123 : memref<10000x128xf32, #tpu.memory_space<hbm>>) dst(%dma_wait3A_117 : memref<128x128xf32, #tpu.memory_space<vmem>>)
        %add3A_124 = arith.constant 1 : i32
        %add3A_125 = arith.addi %mul3A_79, %add3A_124 : i32
        %run_scoped3A_126 = arith.constant 1 : i32
        "tpu.region"() ({
          %run_scoped3A_142 = tpu.sem_alloc : memref<!tpu.dma_semaphore, #tpu.memory_space<semaphore_mem>>
          %dma_start3A_143 = arith.constant 0 : i32
          %dma_start3A_144 = arith.constant 0 : i32
          %dma_start3A_145 = tpu.memref_slice %arg9[%run_scoped3A_126, %dma_start3A_143, %dma_start3A_144] : memref<2x128x128xf32, #tpu.memory_space<vmem>> -> memref<1x128x128xf32, #tpu.memory_space<vmem>>
          %dma_start3A_146 = tpu.memref_squeeze %dma_start3A_145 : memref<1x128x128xf32, #tpu.memory_space<vmem>> -> memref<128x128xf32, #tpu.memory_space<vmem>>
          %dma_start3A_147 = arith.constant 0 : i32
          %dma_start3A_148 = tpu.memref_slice %arg8[%add3A_125, %dma_start3A_147] : memref<40x128xi32, #tpu.memory_space<vmem>> -> memref<1x128xi32, #tpu.memory_space<vmem>>
          %dma_start3A_149 = tpu.memref_squeeze %dma_start3A_148 : memref<1x128xi32, #tpu.memory_space<vmem>> -> memref<128xi32, #tpu.memory_space<vmem>>
          %dma_start3A_150 = arith.constant 0 : i32
          %dma_start3A_151 = arith.constant 0 : i32
          %dma_start3A_152 = tpu.memref_slice %arg10[%dma_start3A_150, %dma_start3A_151] : memref<10240x128xf32, #tpu.memory_space<vmem_shared>> -> memref<10240x128xf32, #tpu.memory_space<vmem_shared>>
          tpu.enqueue_indirect_dma source(%dma_start3A_146 : memref<128x128xf32, #tpu.memory_space<vmem>>) target(%dma_start3A_152 : memref<10240x128xf32, #tpu.memory_space<vmem_shared>>) offsets(%dma_start3A_149 : memref<128xi32, #tpu.memory_space<vmem>>) semaphore(%run_scoped3A_142 : memref<!tpu.dma_semaphore, #tpu.memory_space<semaphore_mem>>) {add = true}
          %dma_wait3A_153 = arith.constant 0 : i32
          %dma_wait3A_154 = arith.constant 0 : i32
          %dma_wait3A_155 = tpu.memref_slice %arg9[%run_scoped3A_126, %dma_wait3A_153, %dma_wait3A_154] : memref<2x128x128xf32, #tpu.memory_space<vmem>> -> memref<1x128x128xf32, #tpu.memory_space<vmem>>
          %dma_wait3A_156 = tpu.memref_squeeze %dma_wait3A_155 : memref<1x128x128xf32, #tpu.memory_space<vmem>> -> memref<128x128xf32, #tpu.memory_space<vmem>>
          %dma_wait3A_157 = arith.constant 0 : i32
          %dma_wait3A_158 = tpu.memref_slice %arg8[%add3A_125, %dma_wait3A_157] : memref<40x128xi32, #tpu.memory_space<vmem>> -> memref<1x128xi32, #tpu.memory_space<vmem>>
          %dma_wait3A_159 = tpu.memref_squeeze %dma_wait3A_158 : memref<1x128xi32, #tpu.memory_space<vmem>> -> memref<128xi32, #tpu.memory_space<vmem>>
          %dma_wait3A_160 = arith.constant 0 : i32
          %dma_wait3A_161 = arith.constant 0 : i32
          %dma_wait3A_162 = tpu.memref_slice %arg10[%dma_wait3A_160, %dma_wait3A_161] : memref<10240x128xf32, #tpu.memory_space<vmem_shared>> -> memref<10240x128xf32, #tpu.memory_space<vmem_shared>>
          tpu.wait_indirect_dma semaphore(%run_scoped3A_142 : memref<!tpu.dma_semaphore, #tpu.memory_space<semaphore_mem>>) src(%dma_wait3A_156 : memref<128x128xf32, #tpu.memory_space<vmem>>) dst(%dma_wait3A_162 : memref<10240x128xf32, #tpu.memory_space<vmem_shared>>)
          tpu.yield
        }) : () -> ()
        %add3A_127 = arith.constant 2 : i32
        %add3A_128 = arith.addi %mul3A_79, %add3A_127 : i32
        %add3A_129 = arith.constant 1 : i32
        %add3A_130 = arith.addi %add3A_128, %add3A_129 : i32
        %dma_start3A_131 = arith.constant 1 : i32
        %dma_start3A_132 = arith.constant 0 : i32
        %dma_start3A_133 = arith.constant 0 : i32
        %dma_start3A_134 = tpu.memref_slice %arg9[%dma_start3A_131, %dma_start3A_132, %dma_start3A_133] : memref<2x128x128xf32, #tpu.memory_space<vmem>> -> memref<1x128x128xf32, #tpu.memory_space<vmem>>
        %dma_start3A_135 = tpu.memref_squeeze %dma_start3A_134 : memref<1x128x128xf32, #tpu.memory_space<vmem>> -> memref<128x128xf32, #tpu.memory_space<vmem>>
        %dma_start3A_136 = arith.constant 0 : i32
        %dma_start3A_137 = tpu.memref_slice %arg7[%add3A_130, %dma_start3A_136] : memref<40x128xi32, #tpu.memory_space<vmem>> -> memref<1x128xi32, #tpu.memory_space<vmem>>
        %dma_start3A_138 = tpu.memref_squeeze %dma_start3A_137 : memref<1x128xi32, #tpu.memory_space<vmem>> -> memref<128xi32, #tpu.memory_space<vmem>>
        %dma_start3A_139 = arith.constant 0 : i32
        %dma_start3A_140 = arith.constant 0 : i32
        %dma_start3A_141 = tpu.memref_slice %arg2[%dma_start3A_139, %dma_start3A_140] : memref<10000x128xf32, #tpu.memory_space<hbm>> -> memref<10000x128xf32, #tpu.memory_space<hbm>>
        tpu.enqueue_indirect_dma source(%dma_start3A_141 : memref<10000x128xf32, #tpu.memory_space<hbm>>) target(%dma_start3A_135 : memref<128x128xf32, #tpu.memory_space<vmem>>) offsets(%dma_start3A_138 : memref<128xi32, #tpu.memory_space<vmem>>) semaphore(%arg12 : memref<!tpu.dma_semaphore, #tpu.memory_space<semaphore_mem>>)
      }
      %scan3A_50 = arith.constant 19 : i32
      %dma_wait3A = arith.constant 38 : i32
      %dma_wait3A_51 = arith.constant 0 : i32
      %dma_wait3A_52 = arith.constant 0 : i32
      %dma_wait3A_53 = arith.constant 0 : i32
      %dma_wait3A_54 = tpu.memref_slice %arg9[%dma_wait3A_51, %dma_wait3A_52, %dma_wait3A_53] : memref<2x128x128xf32, #tpu.memory_space<vmem>> -> memref<1x128x128xf32, #tpu.memory_space<vmem>>
      %dma_wait3A_55 = tpu.memref_squeeze %dma_wait3A_54 : memref<1x128x128xf32, #tpu.memory_space<vmem>> -> memref<128x128xf32, #tpu.memory_space<vmem>>
      %dma_wait3A_56 = arith.constant 0 : i32
      %dma_wait3A_57 = tpu.memref_slice %arg7[%dma_wait3A, %dma_wait3A_56] : memref<40x128xi32, #tpu.memory_space<vmem>> -> memref<1x128xi32, #tpu.memory_space<vmem>>
      %dma_wait3A_58 = tpu.memref_squeeze %dma_wait3A_57 : memref<1x128xi32, #tpu.memory_space<vmem>> -> memref<128xi32, #tpu.memory_space<vmem>>
      %dma_wait3A_59 = arith.constant 0 : i32
      %dma_wait3A_60 = arith.constant 0 : i32
      %dma_wait3A_61 = tpu.memref_slice %arg2[%dma_wait3A_59, %dma_wait3A_60] : memref<10000x128xf32, #tpu.memory_space<hbm>> -> memref<10000x128xf32, #tpu.memory_space<hbm>>
      tpu.wait_indirect_dma semaphore(%arg11 : memref<!tpu.dma_semaphore, #tpu.memory_space<semaphore_mem>>) src(%dma_wait3A_61 : memref<10000x128xf32, #tpu.memory_space<hbm>>) dst(%dma_wait3A_55 : memref<128x128xf32, #tpu.memory_space<vmem>>)
      %run_scoped3A = arith.constant 0 : i32
      %run_scoped3A_62 = arith.constant 38 : i32
      "tpu.region"() ({
        %run_scoped3A_77 = tpu.sem_alloc : memref<!tpu.dma_semaphore, #tpu.memory_space<semaphore_mem>>
        %dma_start3A_78 = arith.constant 0 : i32
        %dma_start3A_79 = arith.constant 0 : i32
        %dma_start3A_80 = tpu.memref_slice %arg9[%run_scoped3A, %dma_start3A_78, %dma_start3A_79] : memref<2x128x128xf32, #tpu.memory_space<vmem>> -> memref<1x128x128xf32, #tpu.memory_space<vmem>>
        %dma_start3A_81 = tpu.memref_squeeze %dma_start3A_80 : memref<1x128x128xf32, #tpu.memory_space<vmem>> -> memref<128x128xf32, #tpu.memory_space<vmem>>
        %dma_start3A_82 = arith.constant 0 : i32
        %dma_start3A_83 = tpu.memref_slice %arg8[%run_scoped3A_62, %dma_start3A_82] : memref<40x128xi32, #tpu.memory_space<vmem>> -> memref<1x128xi32, #tpu.memory_space<vmem>>
        %dma_start3A_84 = tpu.memref_squeeze %dma_start3A_83 : memref<1x128xi32, #tpu.memory_space<vmem>> -> memref<128xi32, #tpu.memory_space<vmem>>
        %dma_start3A_85 = arith.constant 0 : i32
        %dma_start3A_86 = arith.constant 0 : i32
        %dma_start3A_87 = tpu.memref_slice %arg10[%dma_start3A_85, %dma_start3A_86] : memref<10240x128xf32, #tpu.memory_space<vmem_shared>> -> memref<10240x128xf32, #tpu.memory_space<vmem_shared>>
        tpu.enqueue_indirect_dma source(%dma_start3A_81 : memref<128x128xf32, #tpu.memory_space<vmem>>) target(%dma_start3A_87 : memref<10240x128xf32, #tpu.memory_space<vmem_shared>>) offsets(%dma_start3A_84 : memref<128xi32, #tpu.memory_space<vmem>>) semaphore(%run_scoped3A_77 : memref<!tpu.dma_semaphore, #tpu.memory_space<semaphore_mem>>) {add = true}
        %dma_wait3A_88 = arith.constant 0 : i32
        %dma_wait3A_89 = arith.constant 0 : i32
        %dma_wait3A_90 = tpu.memref_slice %arg9[%run_scoped3A, %dma_wait3A_88, %dma_wait3A_89] : memref<2x128x128xf32, #tpu.memory_space<vmem>> -> memref<1x128x128xf32, #tpu.memory_space<vmem>>
        %dma_wait3A_91 = tpu.memref_squeeze %dma_wait3A_90 : memref<1x128x128xf32, #tpu.memory_space<vmem>> -> memref<128x128xf32, #tpu.memory_space<vmem>>
        %dma_wait3A_92 = arith.constant 0 : i32
        %dma_wait3A_93 = tpu.memref_slice %arg8[%run_scoped3A_62, %dma_wait3A_92] : memref<40x128xi32, #tpu.memory_space<vmem>> -> memref<1x128xi32, #tpu.memory_space<vmem>>
        %dma_wait3A_94 = tpu.memref_squeeze %dma_wait3A_93 : memref<1x128xi32, #tpu.memory_space<vmem>> -> memref<128xi32, #tpu.memory_space<vmem>>
        %dma_wait3A_95 = arith.constant 0 : i32
        %dma_wait3A_96 = arith.constant 0 : i32
        %dma_wait3A_97 = tpu.memref_slice %arg10[%dma_wait3A_95, %dma_wait3A_96] : memref<10240x128xf32, #tpu.memory_space<vmem_shared>> -> memref<10240x128xf32, #tpu.memory_space<vmem_shared>>
        tpu.wait_indirect_dma semaphore(%run_scoped3A_77 : memref<!tpu.dma_semaphore, #tpu.memory_space<semaphore_mem>>) src(%dma_wait3A_91 : memref<128x128xf32, #tpu.memory_space<vmem>>) dst(%dma_wait3A_97 : memref<10240x128xf32, #tpu.memory_space<vmem_shared>>)
        tpu.yield
      }) : () -> ()
      %dma_wait3A_63 = arith.constant 39 : i32
      %dma_wait3A_64 = arith.constant 1 : i32
      %dma_wait3A_65 = arith.constant 0 : i32
      %dma_wait3A_66 = arith.constant 0 : i32
      %dma_wait3A_67 = tpu.memref_slice %arg9[%dma_wait3A_64, %dma_wait3A_65, %dma_wait3A_66] : memref<2x128x128xf32, #tpu.memory_space<vmem>> -> memref<1x128x128xf32, #tpu.memory_space<vmem>>
      %dma_wait3A_68 = tpu.memref_squeeze %dma_wait3A_67 : memref<1x128x128xf32, #tpu.memory_space<vmem>> -> memref<128x128xf32, #tpu.memory_space<vmem>>
      %dma_wait3A_69 = arith.constant 0 : i32
      %dma_wait3A_70 = tpu.memref_slice %arg7[%dma_wait3A_63, %dma_wait3A_69] : memref<40x128xi32, #tpu.memory_space<vmem>> -> memref<1x128xi32, #tpu.memory_space<vmem>>
      %dma_wait3A_71 = tpu.memref_squeeze %dma_wait3A_70 : memref<1x128xi32, #tpu.memory_space<vmem>> -> memref<128xi32, #tpu.memory_space<vmem>>
      %dma_wait3A_72 = arith.constant 0 : i32
      %dma_wait3A_73 = arith.constant 0 : i32
      %dma_wait3A_74 = tpu.memref_slice %arg2[%dma_wait3A_72, %dma_wait3A_73] : memref<10000x128xf32, #tpu.memory_space<hbm>> -> memref<10000x128xf32, #tpu.memory_space<hbm>>
      tpu.wait_indirect_dma semaphore(%arg12 : memref<!tpu.dma_semaphore, #tpu.memory_space<semaphore_mem>>) src(%dma_wait3A_74 : memref<10000x128xf32, #tpu.memory_space<hbm>>) dst(%dma_wait3A_68 : memref<128x128xf32, #tpu.memory_space<vmem>>)
      %run_scoped3A_75 = arith.constant 1 : i32
      %run_scoped3A_76 = arith.constant 39 : i32
      "tpu.region"() ({
        %run_scoped3A_77 = tpu.sem_alloc : memref<!tpu.dma_semaphore, #tpu.memory_space<semaphore_mem>>
        %dma_start3A_78 = arith.constant 0 : i32
        %dma_start3A_79 = arith.constant 0 : i32
        %dma_start3A_80 = tpu.memref_slice %arg9[%run_scoped3A_75, %dma_start3A_78, %dma_start3A_79] : memref<2x128x128xf32, #tpu.memory_space<vmem>> -> memref<1x128x128xf32, #tpu.memory_space<vmem>>
        %dma_start3A_81 = tpu.memref_squeeze %dma_start3A_80 : memref<1x128x128xf32, #tpu.memory_space<vmem>> -> memref<128x128xf32, #tpu.memory_space<vmem>>
        %dma_start3A_82 = arith.constant 0 : i32
        %dma_start3A_83 = tpu.memref_slice %arg8[%run_scoped3A_76, %dma_start3A_82] : memref<40x128xi32, #tpu.memory_space<vmem>> -> memref<1x128xi32, #tpu.memory_space<vmem>>
        %dma_start3A_84 = tpu.memref_squeeze %dma_start3A_83 : memref<1x128xi32, #tpu.memory_space<vmem>> -> memref<128xi32, #tpu.memory_space<vmem>>
        %dma_start3A_85 = arith.constant 0 : i32
        %dma_start3A_86 = arith.constant 0 : i32
        %dma_start3A_87 = tpu.memref_slice %arg10[%dma_start3A_85, %dma_start3A_86] : memref<10240x128xf32, #tpu.memory_space<vmem_shared>> -> memref<10240x128xf32, #tpu.memory_space<vmem_shared>>
        tpu.enqueue_indirect_dma source(%dma_start3A_81 : memref<128x128xf32, #tpu.memory_space<vmem>>) target(%dma_start3A_87 : memref<10240x128xf32, #tpu.memory_space<vmem_shared>>) offsets(%dma_start3A_84 : memref<128xi32, #tpu.memory_space<vmem>>) semaphore(%run_scoped3A_77 : memref<!tpu.dma_semaphore, #tpu.memory_space<semaphore_mem>>) {add = true}
        %dma_wait3A_88 = arith.constant 0 : i32
        %dma_wait3A_89 = arith.constant 0 : i32
        %dma_wait3A_90 = tpu.memref_slice %arg9[%run_scoped3A_75, %dma_wait3A_88, %dma_wait3A_89] : memref<2x128x128xf32, #tpu.memory_space<vmem>> -> memref<1x128x128xf32, #tpu.memory_space<vmem>>
        %dma_wait3A_91 = tpu.memref_squeeze %dma_wait3A_90 : memref<1x128x128xf32, #tpu.memory_space<vmem>> -> memref<128x128xf32, #tpu.memory_space<vmem>>
        %dma_wait3A_92 = arith.constant 0 : i32
        %dma_wait3A_93 = tpu.memref_slice %arg8[%run_scoped3A_76, %dma_wait3A_92] : memref<40x128xi32, #tpu.memory_space<vmem>> -> memref<1x128xi32, #tpu.memory_space<vmem>>
        %dma_wait3A_94 = tpu.memref_squeeze %dma_wait3A_93 : memref<1x128xi32, #tpu.memory_space<vmem>> -> memref<128xi32, #tpu.memory_space<vmem>>
        %dma_wait3A_95 = arith.constant 0 : i32
        %dma_wait3A_96 = arith.constant 0 : i32
        %dma_wait3A_97 = tpu.memref_slice %arg10[%dma_wait3A_95, %dma_wait3A_96] : memref<10240x128xf32, #tpu.memory_space<vmem_shared>> -> memref<10240x128xf32, #tpu.memory_space<vmem_shared>>
        tpu.wait_indirect_dma semaphore(%run_scoped3A_77 : memref<!tpu.dma_semaphore, #tpu.memory_space<semaphore_mem>>) src(%dma_wait3A_91 : memref<128x128xf32, #tpu.memory_space<vmem>>) dst(%dma_wait3A_97 : memref<10240x128xf32, #tpu.memory_space<vmem_shared>>)
        tpu.yield
      }) : () -> ()
    }
    %scan3A_9 = arith.constant 2 : i32
    %barrier3A_10 = arith.constant 0 : index
    tpu.barrier barrier_id(%barrier3A_10)
    %mul3A_11 = arith.constant 640 : i32
    %mul3A_12 = arith.muli %arg1, %mul3A_11 : i32
    %mul3A_13 = arith.constant 640 : i32
    %mul3A_14 = arith.muli %arg1, %mul3A_13 : i32
    "tpu.region"() ({
      %run_scoped3A = tpu.sem_alloc : memref<!tpu.dma_semaphore, #tpu.memory_space<semaphore_mem>>
      %dma_start3A = arith.constant 0 : i32
      %dma_start3A_15 = tpu.memref_slice %arg6[%arg0, %mul3A_14, %dma_start3A] : memref<2x10240x128xf32, #tpu.memory_space<hbm>> -> memref<1x640x128xf32, #tpu.memory_space<hbm>>
      %dma_start3A_16 = tpu.memref_squeeze %dma_start3A_15 : memref<1x640x128xf32, #tpu.memory_space<hbm>> -> memref<640x128xf32, #tpu.memory_space<hbm>>
      %dma_start3A_17 = arith.constant 0 : i32
      %dma_start3A_18 = tpu.memref_slice %arg10[%mul3A_12, %dma_start3A_17] : memref<10240x128xf32, #tpu.memory_space<vmem_shared>> -> memref<640x128xf32, #tpu.memory_space<vmem_shared>>
      tpu.enqueue_dma source(%dma_start3A_18 : memref<640x128xf32, #tpu.memory_space<vmem_shared>>) target(%dma_start3A_16 : memref<640x128xf32, #tpu.memory_space<hbm>>) target_semaphore(%run_scoped3A : memref<!tpu.dma_semaphore, #tpu.memory_space<semaphore_mem>>)
      %dma_wait3A = arith.constant 0 : i32
      %dma_wait3A_19 = tpu.memref_slice %arg6[%arg0, %mul3A_14, %dma_wait3A] : memref<2x10240x128xf32, #tpu.memory_space<hbm>> -> memref<1x640x128xf32, #tpu.memory_space<hbm>>
      %dma_wait3A_20 = tpu.memref_squeeze %dma_wait3A_19 : memref<1x640x128xf32, #tpu.memory_space<hbm>> -> memref<640x128xf32, #tpu.memory_space<hbm>>
      %dma_wait3A_21 = arith.constant 0 : i32
      %dma_wait3A_22 = tpu.memref_slice %arg10[%mul3A_12, %dma_wait3A_21] : memref<10240x128xf32, #tpu.memory_space<vmem_shared>> -> memref<640x128xf32, #tpu.memory_space<vmem_shared>>
      tpu.wait_dma2 semaphore(%run_scoped3A : memref<!tpu.dma_semaphore, #tpu.memory_space<semaphore_mem>>) src(%dma_wait3A_22 : memref<640x128xf32, #tpu.memory_space<vmem_shared>>) dst(%dma_wait3A_20 : memref<640x128xf32, #tpu.memory_space<hbm>>)
      tpu.yield
    }) : () -> ()
    return
  }
}

#map = affine_map<(d0, d1) -> (0, 0)>
#map1 = affine_map<(d0, d1) -> (0, 0, 0)>
module attributes {stable_mosaic.version = 14 : i64} {
  func.func @body(%arg0: i32, %arg1: i32, %arg2: memref<10000x128xf32, #tpu.memory_space<hbm>>, %arg3: memref<2560x128xi32, #tpu.memory_space<hbm>>, %arg4: memref<2560x128xi32, #tpu.memory_space<hbm>>, %arg5: memref<640x128xf32, #tpu.memory_space<hbm>>, %arg6: memref<2x10240x128xf32, #tpu.memory_space<hbm>>, %arg7: memref<40x128xi32, #tpu.memory_space<vmem>>, %arg8: memref<40x128xi32, #tpu.memory_space<vmem>>, %arg9: memref<2x128x128xf32, #tpu.memory_space<vmem>>, %arg10: memref<10240x128xf32, #tpu.memory_space<vmem_shared>>, %arg11: memref<!tpu.dma_semaphore, #tpu.memory_space<semaphore_mem>>, %arg12: memref<!tpu.dma_semaphore, #tpu.memory_space<semaphore_mem>>) attributes {dimension_semantics = [#tpu.dimension_semantics<core_parallel>, #tpu.dimension_semantics<subcore_parallel>], iteration_bounds = array<i64: 2, 16>, scalar_prefetch = 0 : i64, scratch_operands = 6 : i64, tpu.core_type = #tpu.core_type<sc_vector_subcore>, window_params = [{transform_indices = #map}, {transform_indices = #map}, {transform_indices = #map}, {transform_indices = #map}, {transform_indices = #map1}]} {
    %mul3A = arith.constant 640 : i32
    %mul3A_0 = arith.muli %arg1, %mul3A : i32
    "tpu.region"() ({
      %run_scoped3A = tpu.sem_alloc : memref<!tpu.dma_semaphore, #tpu.memory_space<semaphore_mem>>
      %dma_start3A = arith.constant 0 : i32
      %dma_start3A_15 = tpu.memref_slice %arg10[%mul3A_0, %dma_start3A] : memref<10240x128xf32, #tpu.memory_space<vmem_shared>> -> memref<640x128xf32, #tpu.memory_space<vmem_shared>>
      tpu.enqueue_dma source(%arg5 : memref<640x128xf32, #tpu.memory_space<hbm>>) target(%dma_start3A_15 : memref<640x128xf32, #tpu.memory_space<vmem_shared>>) target_semaphore(%run_scoped3A : memref<!tpu.dma_semaphore, #tpu.memory_space<semaphore_mem>>)
      %dma_wait3A = arith.constant 0 : i32
      %dma_wait3A_16 = tpu.memref_slice %arg10[%mul3A_0, %dma_wait3A] : memref<10240x128xf32, #tpu.memory_space<vmem_shared>> -> memref<640x128xf32, #tpu.memory_space<vmem_shared>>
      tpu.wait_dma2 semaphore(%run_scoped3A : memref<!tpu.dma_semaphore, #tpu.memory_space<semaphore_mem>>) src(%arg5 : memref<640x128xf32, #tpu.memory_space<hbm>>) dst(%dma_wait3A_16 : memref<640x128xf32, #tpu.memory_space<vmem_shared>>)
      tpu.yield
    }) : () -> ()
    %mul3A_1 = arith.constant 16 : i32
    %mul3A_2 = arith.muli %arg0, %mul3A_1 : i32
    %add3A = arith.addi %mul3A_2, %arg1 : i32
    %mul3A_3 = arith.constant 80 : i32
    %mul3A_4 = arith.muli %add3A, %mul3A_3 : i32
    %barrier3A = arith.constant 0 : index
    tpu.barrier barrier_id(%barrier3A)
    %scan3A = arith.constant 0 : i32
    %scan3A_5 = arith.constant 0 : i32
    %scan3A_6 = arith.constant 2 : i32
    %scan3A_7 = arith.addi %scan3A_5, %scan3A_6 : i32
    %scan3A_8 = arith.constant 1 : i32
    scf.for %scan3A_15 = %scan3A_5 to %scan3A_7 step %scan3A_8  : i32 {
      %mul3A_16 = arith.constant 40 : i32
      %mul3A_17 = arith.muli %scan3A_15, %mul3A_16 : i32
      %add3A_18 = arith.addi %mul3A_4, %mul3A_17 : i32
      "tpu.region"() ({
        %run_scoped3A_77 = tpu.sem_alloc : memref<!tpu.dma_semaphore, #tpu.memory_space<semaphore_mem>>
        %dma_start3A_78 = arith.constant 0 : i32
        %dma_start3A_79 = tpu.memref_slice %arg3[%add3A_18, %dma_start3A_78] : memref<2560x128xi32, #tpu.memory_space<hbm>> -> memref<40x128xi32, #tpu.memory_space<hbm>>
        %dma_start3A_80 = arith.constant 0 : i32
        %dma_start3A_81 = tpu.memref_slice %arg3[%add3A_18, %dma_start3A_80] : memref<2560x128xi32, #tpu.memory_space<hbm>> -> memref<40x128xi32, #tpu.memory_space<hbm>>
        tpu.enqueue_dma source(%dma_start3A_81 : memref<40x128xi32, #tpu.memory_space<hbm>>) target(%arg7 : memref<40x128xi32, #tpu.memory_space<vmem>>) target_semaphore(%run_scoped3A_77 : memref<!tpu.dma_semaphore, #tpu.memory_space<semaphore_mem>>)
        %dma_wait3A_82 = arith.constant 0 : i32
        %dma_wait3A_83 = tpu.memref_slice %arg3[%add3A_18, %dma_wait3A_82] : memref<2560x128xi32, #tpu.memory_space<hbm>> -> memref<40x128xi32, #tpu.memory_space<hbm>>
        %dma_wait3A_84 = arith.constant 0 : i32
        %dma_wait3A_85 = tpu.memref_slice %arg3[%add3A_18, %dma_wait3A_84] : memref<2560x128xi32, #tpu.memory_space<hbm>> -> memref<40x128xi32, #tpu.memory_space<hbm>>
        tpu.wait_dma2 semaphore(%run_scoped3A_77 : memref<!tpu.dma_semaphore, #tpu.memory_space<semaphore_mem>>) src(%dma_wait3A_85 : memref<40x128xi32, #tpu.memory_space<hbm>>) dst(%arg7 : memref<40x128xi32, #tpu.memory_space<vmem>>)
        tpu.yield
      }) : () -> ()
      %mul3A_19 = arith.constant 40 : i32
      %mul3A_20 = arith.muli %scan3A_15, %mul3A_19 : i32
      %add3A_21 = arith.addi %mul3A_4, %mul3A_20 : i32
      "tpu.region"() ({
        %run_scoped3A_77 = tpu.sem_alloc : memref<!tpu.dma_semaphore, #tpu.memory_space<semaphore_mem>>
        %dma_start3A_78 = arith.constant 0 : i32
        %dma_start3A_79 = tpu.memref_slice %arg4[%add3A_21, %dma_start3A_78] : memref<2560x128xi32, #tpu.memory_space<hbm>> -> memref<40x128xi32, #tpu.memory_space<hbm>>
        %dma_start3A_80 = arith.constant 0 : i32
        %dma_start3A_81 = tpu.memref_slice %arg4[%add3A_21, %dma_start3A_80] : memref<2560x128xi32, #tpu.memory_space<hbm>> -> memref<40x128xi32, #tpu.memory_space<hbm>>
        tpu.enqueue_dma source(%dma_start3A_81 : memref<40x128xi32, #tpu.memory_space<hbm>>) target(%arg8 : memref<40x128xi32, #tpu.memory_space<vmem>>) target_semaphore(%run_scoped3A_77 : memref<!tpu.dma_semaphore, #tpu.memory_space<semaphore_mem>>)
        %dma_wait3A_82 = arith.constant 0 : i32
        %dma_wait3A_83 = tpu.memref_slice %arg4[%add3A_21, %dma_wait3A_82] : memref<2560x128xi32, #tpu.memory_space<hbm>> -> memref<40x128xi32, #tpu.memory_space<hbm>>
        %dma_wait3A_84 = arith.constant 0 : i32
        %dma_wait3A_85 = tpu.memref_slice %arg4[%add3A_21, %dma_wait3A_84] : memref<2560x128xi32, #tpu.memory_space<hbm>> -> memref<40x128xi32, #tpu.memory_space<hbm>>
        tpu.wait_dma2 semaphore(%run_scoped3A_77 : memref<!tpu.dma_semaphore, #tpu.memory_space<semaphore_mem>>) src(%dma_wait3A_85 : memref<40x128xi32, #tpu.memory_space<hbm>>) dst(%arg8 : memref<40x128xi32, #tpu.memory_space<vmem>>)
        tpu.yield
      }) : () -> ()
      %dma_start3A = arith.constant 0 : i32
      %dma_start3A_22 = arith.constant 0 : i32
      %dma_start3A_23 = arith.constant 0 : i32
      %dma_start3A_24 = arith.constant 0 : i32
      %dma_start3A_25 = tpu.memref_slice %arg9[%dma_start3A_22, %dma_start3A_23, %dma_start3A_24] : memref<2x128x128xf32, #tpu.memory_space<vmem>> -> memref<1x128x128xf32, #tpu.memory_space<vmem>>
      %dma_start3A_26 = tpu.memref_squeeze %dma_start3A_25 : memref<1x128x128xf32, #tpu.memory_space<vmem>> -> memref<128x128xf32, #tpu.memory_space<vmem>>
      %dma_start3A_27 = arith.constant 0 : i32
      %dma_start3A_28 = tpu.memref_slice %arg7[%dma_start3A, %dma_start3A_27] : memref<40x128xi32, #tpu.memory_space<vmem>> -> memref<1x128xi32, #tpu.memory_space<vmem>>
      %dma_start3A_29 = tpu.memref_squeeze %dma_start3A_28 : memref<1x128xi32, #tpu.memory_space<vmem>> -> memref<128xi32, #tpu.memory_space<vmem>>
      %dma_start3A_30 = arith.constant 0 : i32
      %dma_start3A_31 = arith.constant 0 : i32
      %dma_start3A_32 = tpu.memref_slice %arg2[%dma_start3A_30, %dma_start3A_31] : memref<10000x128xf32, #tpu.memory_space<hbm>> -> memref<10000x128xf32, #tpu.memory_space<hbm>>
      tpu.enqueue_indirect_dma source(%dma_start3A_32 : memref<10000x128xf32, #tpu.memory_space<hbm>>) target(%dma_start3A_26 : memref<128x128xf32, #tpu.memory_space<vmem>>) offsets(%dma_start3A_29 : memref<128xi32, #tpu.memory_space<vmem>>) semaphore(%arg11 : memref<!tpu.dma_semaphore, #tpu.memory_space<semaphore_mem>>)
      %dma_start3A_33 = arith.constant 1 : i32
      %dma_start3A_34 = arith.constant 1 : i32
      %dma_start3A_35 = arith.constant 0 : i32
      %dma_start3A_36 = arith.constant 0 : i32
      %dma_start3A_37 = tpu.memref_slice %arg9[%dma_start3A_34, %dma_start3A_35, %dma_start3A_36] : memref<2x128x128xf32, #tpu.memory_space<vmem>> -> memref<1x128x128xf32, #tpu.memory_space<vmem>>
      %dma_start3A_38 = tpu.memref_squeeze %dma_start3A_37 : memref<1x128x128xf32, #tpu.memory_space<vmem>> -> memref<128x128xf32, #tpu.memory_space<vmem>>
      %dma_start3A_39 = arith.constant 0 : i32
      %dma_start3A_40 = tpu.memref_slice %arg7[%dma_start3A_33, %dma_start3A_39] : memref<40x128xi32, #tpu.memory_space<vmem>> -> memref<1x128xi32, #tpu.memory_space<vmem>>
      %dma_start3A_41 = tpu.memref_squeeze %dma_start3A_40 : memref<1x128xi32, #tpu.memory_space<vmem>> -> memref<128xi32, #tpu.memory_space<vmem>>
      %dma_start3A_42 = arith.constant 0 : i32
      %dma_start3A_43 = arith.constant 0 : i32
      %dma_start3A_44 = tpu.memref_slice %arg2[%dma_start3A_42, %dma_start3A_43] : memref<10000x128xf32, #tpu.memory_space<hbm>> -> memref<10000x128xf32, #tpu.memory_space<hbm>>
      tpu.enqueue_indirect_dma source(%dma_start3A_44 : memref<10000x128xf32, #tpu.memory_space<hbm>>) target(%dma_start3A_38 : memref<128x128xf32, #tpu.memory_space<vmem>>) offsets(%dma_start3A_41 : memref<128xi32, #tpu.memory_space<vmem>>) semaphore(%arg12 : memref<!tpu.dma_semaphore, #tpu.memory_space<semaphore_mem>>)
      %scan3A_45 = arith.constant 0 : i32
      %scan3A_46 = arith.constant 0 : i32
      %scan3A_47 = arith.constant 19 : i32
      %scan3A_48 = arith.addi %scan3A_46, %scan3A_47 : i32
      %scan3A_49 = arith.constant 1 : i32
      scf.for %scan3A_77 = %scan3A_46 to %scan3A_48 step %scan3A_49  : i32 {
        %mul3A_78 = arith.constant 2 : i32
        %mul3A_79 = arith.muli %scan3A_77, %mul3A_78 : i32
        %add3A_80 = arith.constant 0 : i32
        %add3A_81 = arith.addi %mul3A_79, %add3A_80 : i32
        %dma_wait3A_82 = arith.constant 0 : i32
        %dma_wait3A_83 = arith.constant 0 : i32
        %dma_wait3A_84 = arith.constant 0 : i32
        %dma_wait3A_85 = tpu.memref_slice %arg9[%dma_wait3A_82, %dma_wait3A_83, %dma_wait3A_84] : memref<2x128x128xf32, #tpu.memory_space<vmem>> -> memref<1x128x128xf32, #tpu.memory_space<vmem>>
        %dma_wait3A_86 = tpu.memref_squeeze %dma_wait3A_85 : memref<1x128x128xf32, #tpu.memory_space<vmem>> -> memref<128x128xf32, #tpu.memory_space<vmem>>
        %dma_wait3A_87 = arith.constant 0 : i32
        %dma_wait3A_88 = tpu.memref_slice %arg7[%add3A_81, %dma_wait3A_87] : memref<40x128xi32, #tpu.memory_space<vmem>> -> memref<1x128xi32, #tpu.memory_space<vmem>>
        %dma_wait3A_89 = tpu.memref_squeeze %dma_wait3A_88 : memref<1x128xi32, #tpu.memory_space<vmem>> -> memref<128xi32, #tpu.memory_space<vmem>>
        %dma_wait3A_90 = arith.constant 0 : i32
        %dma_wait3A_91 = arith.constant 0 : i32
        %dma_wait3A_92 = tpu.memref_slice %arg2[%dma_wait3A_90, %dma_wait3A_91] : memref<10000x128xf32, #tpu.memory_space<hbm>> -> memref<10000x128xf32, #tpu.memory_space<hbm>>
        tpu.wait_indirect_dma semaphore(%arg11 : memref<!tpu.dma_semaphore, #tpu.memory_space<semaphore_mem>>) src(%dma_wait3A_92 : memref<10000x128xf32, #tpu.memory_space<hbm>>) dst(%dma_wait3A_86 : memref<128x128xf32, #tpu.memory_space<vmem>>)
        %add3A_93 = arith.constant 0 : i32
        %add3A_94 = arith.addi %mul3A_79, %add3A_93 : i32
        %run_scoped3A_95 = arith.constant 0 : i32
        "tpu.region"() ({
          %run_scoped3A_142 = tpu.sem_alloc : memref<!tpu.dma_semaphore, #tpu.memory_space<semaphore_mem>>
          %dma_start3A_143 = arith.constant 0 : i32
          %dma_start3A_144 = arith.constant 0 : i32
          %dma_start3A_145 = tpu.memref_slice %arg9[%run_scoped3A_95, %dma_start3A_143, %dma_start3A_144] : memref<2x128x128xf32, #tpu.memory_space<vmem>> -> memref<1x128x128xf32, #tpu.memory_space<vmem>>
          %dma_start3A_146 = tpu.memref_squeeze %dma_start3A_145 : memref<1x128x128xf32, #tpu.memory_space<vmem>> -> memref<128x128xf32, #tpu.memory_space<vmem>>
          %dma_start3A_147 = arith.constant 0 : i32
          %dma_start3A_148 = tpu.memref_slice %arg8[%add3A_94, %dma_start3A_147] : memref<40x128xi32, #tpu.memory_space<vmem>> -> memref<1x128xi32, #tpu.memory_space<vmem>>
          %dma_start3A_149 = tpu.memref_squeeze %dma_start3A_148 : memref<1x128xi32, #tpu.memory_space<vmem>> -> memref<128xi32, #tpu.memory_space<vmem>>
          %dma_start3A_150 = arith.constant 0 : i32
          %dma_start3A_151 = arith.constant 0 : i32
          %dma_start3A_152 = tpu.memref_slice %arg10[%dma_start3A_150, %dma_start3A_151] : memref<10240x128xf32, #tpu.memory_space<vmem_shared>> -> memref<10240x128xf32, #tpu.memory_space<vmem_shared>>
          tpu.enqueue_indirect_dma source(%dma_start3A_146 : memref<128x128xf32, #tpu.memory_space<vmem>>) target(%dma_start3A_152 : memref<10240x128xf32, #tpu.memory_space<vmem_shared>>) offsets(%dma_start3A_149 : memref<128xi32, #tpu.memory_space<vmem>>) semaphore(%run_scoped3A_142 : memref<!tpu.dma_semaphore, #tpu.memory_space<semaphore_mem>>) {add = true}
          %dma_wait3A_153 = arith.constant 0 : i32
          %dma_wait3A_154 = arith.constant 0 : i32
          %dma_wait3A_155 = tpu.memref_slice %arg9[%run_scoped3A_95, %dma_wait3A_153, %dma_wait3A_154] : memref<2x128x128xf32, #tpu.memory_space<vmem>> -> memref<1x128x128xf32, #tpu.memory_space<vmem>>
          %dma_wait3A_156 = tpu.memref_squeeze %dma_wait3A_155 : memref<1x128x128xf32, #tpu.memory_space<vmem>> -> memref<128x128xf32, #tpu.memory_space<vmem>>
          %dma_wait3A_157 = arith.constant 0 : i32
          %dma_wait3A_158 = tpu.memref_slice %arg8[%add3A_94, %dma_wait3A_157] : memref<40x128xi32, #tpu.memory_space<vmem>> -> memref<1x128xi32, #tpu.memory_space<vmem>>
          %dma_wait3A_159 = tpu.memref_squeeze %dma_wait3A_158 : memref<1x128xi32, #tpu.memory_space<vmem>> -> memref<128xi32, #tpu.memory_space<vmem>>
          %dma_wait3A_160 = arith.constant 0 : i32
          %dma_wait3A_161 = arith.constant 0 : i32
          %dma_wait3A_162 = tpu.memref_slice %arg10[%dma_wait3A_160, %dma_wait3A_161] : memref<10240x128xf32, #tpu.memory_space<vmem_shared>> -> memref<10240x128xf32, #tpu.memory_space<vmem_shared>>
          tpu.wait_indirect_dma semaphore(%run_scoped3A_142 : memref<!tpu.dma_semaphore, #tpu.memory_space<semaphore_mem>>) src(%dma_wait3A_156 : memref<128x128xf32, #tpu.memory_space<vmem>>) dst(%dma_wait3A_162 : memref<10240x128xf32, #tpu.memory_space<vmem_shared>>)
          tpu.yield
        }) : () -> ()
        %add3A_96 = arith.constant 2 : i32
        %add3A_97 = arith.addi %mul3A_79, %add3A_96 : i32
        %add3A_98 = arith.constant 0 : i32
        %add3A_99 = arith.addi %add3A_97, %add3A_98 : i32
        %dma_start3A_100 = arith.constant 0 : i32
        %dma_start3A_101 = arith.constant 0 : i32
        %dma_start3A_102 = arith.constant 0 : i32
        %dma_start3A_103 = tpu.memref_slice %arg9[%dma_start3A_100, %dma_start3A_101, %dma_start3A_102] : memref<2x128x128xf32, #tpu.memory_space<vmem>> -> memref<1x128x128xf32, #tpu.memory_space<vmem>>
        %dma_start3A_104 = tpu.memref_squeeze %dma_start3A_103 : memref<1x128x128xf32, #tpu.memory_space<vmem>> -> memref<128x128xf32, #tpu.memory_space<vmem>>
        %dma_start3A_105 = arith.constant 0 : i32
        %dma_start3A_106 = tpu.memref_slice %arg7[%add3A_99, %dma_start3A_105] : memref<40x128xi32, #tpu.memory_space<vmem>> -> memref<1x128xi32, #tpu.memory_space<vmem>>
        %dma_start3A_107 = tpu.memref_squeeze %dma_start3A_106 : memref<1x128xi32, #tpu.memory_space<vmem>> -> memref<128xi32, #tpu.memory_space<vmem>>
        %dma_start3A_108 = arith.constant 0 : i32
        %dma_start3A_109 = arith.constant 0 : i32
        %dma_start3A_110 = tpu.memref_slice %arg2[%dma_start3A_108, %dma_start3A_109] : memref<10000x128xf32, #tpu.memory_space<hbm>> -> memref<10000x128xf32, #tpu.memory_space<hbm>>
        tpu.enqueue_indirect_dma source(%dma_start3A_110 : memref<10000x128xf32, #tpu.memory_space<hbm>>) target(%dma_start3A_104 : memref<128x128xf32, #tpu.memory_space<vmem>>) offsets(%dma_start3A_107 : memref<128xi32, #tpu.memory_space<vmem>>) semaphore(%arg11 : memref<!tpu.dma_semaphore, #tpu.memory_space<semaphore_mem>>)
        %add3A_111 = arith.constant 1 : i32
        %add3A_112 = arith.addi %mul3A_79, %add3A_111 : i32
        %dma_wait3A_113 = arith.constant 1 : i32
        %dma_wait3A_114 = arith.constant 0 : i32
        %dma_wait3A_115 = arith.constant 0 : i32
        %dma_wait3A_116 = tpu.memref_slice %arg9[%dma_wait3A_113, %dma_wait3A_114, %dma_wait3A_115] : memref<2x128x128xf32, #tpu.memory_space<vmem>> -> memref<1x128x128xf32, #tpu.memory_space<vmem>>
        %dma_wait3A_117 = tpu.memref_squeeze %dma_wait3A_116 : memref<1x128x128xf32, #tpu.memory_space<vmem>> -> memref<128x128xf32, #tpu.memory_space<vmem>>
        %dma_wait3A_118 = arith.constant 0 : i32
        %dma_wait3A_119 = tpu.memref_slice %arg7[%add3A_112, %dma_wait3A_118] : memref<40x128xi32, #tpu.memory_space<vmem>> -> memref<1x128xi32, #tpu.memory_space<vmem>>
        %dma_wait3A_120 = tpu.memref_squeeze %dma_wait3A_119 : memref<1x128xi32, #tpu.memory_space<vmem>> -> memref<128xi32, #tpu.memory_space<vmem>>
        %dma_wait3A_121 = arith.constant 0 : i32
        %dma_wait3A_122 = arith.constant 0 : i32
        %dma_wait3A_123 = tpu.memref_slice %arg2[%dma_wait3A_121, %dma_wait3A_122] : memref<10000x128xf32, #tpu.memory_space<hbm>> -> memref<10000x128xf32, #tpu.memory_space<hbm>>
        tpu.wait_indirect_dma semaphore(%arg12 : memref<!tpu.dma_semaphore, #tpu.memory_space<semaphore_mem>>) src(%dma_wait3A_123 : memref<10000x128xf32, #tpu.memory_space<hbm>>) dst(%dma_wait3A_117 : memref<128x128xf32, #tpu.memory_space<vmem>>)
        %add3A_124 = arith.constant 1 : i32
        %add3A_125 = arith.addi %mul3A_79, %add3A_124 : i32
        %run_scoped3A_126 = arith.constant 1 : i32
        "tpu.region"() ({
          %run_scoped3A_142 = tpu.sem_alloc : memref<!tpu.dma_semaphore, #tpu.memory_space<semaphore_mem>>
          %dma_start3A_143 = arith.constant 0 : i32
          %dma_start3A_144 = arith.constant 0 : i32
          %dma_start3A_145 = tpu.memref_slice %arg9[%run_scoped3A_126, %dma_start3A_143, %dma_start3A_144] : memref<2x128x128xf32, #tpu.memory_space<vmem>> -> memref<1x128x128xf32, #tpu.memory_space<vmem>>
          %dma_start3A_146 = tpu.memref_squeeze %dma_start3A_145 : memref<1x128x128xf32, #tpu.memory_space<vmem>> -> memref<128x128xf32, #tpu.memory_space<vmem>>
          %dma_start3A_147 = arith.constant 0 : i32
          %dma_start3A_148 = tpu.memref_slice %arg8[%add3A_125, %dma_start3A_147] : memref<40x128xi32, #tpu.memory_space<vmem>> -> memref<1x128xi32, #tpu.memory_space<vmem>>
          %dma_start3A_149 = tpu.memref_squeeze %dma_start3A_148 : memref<1x128xi32, #tpu.memory_space<vmem>> -> memref<128xi32, #tpu.memory_space<vmem>>
          %dma_start3A_150 = arith.constant 0 : i32
          %dma_start3A_151 = arith.constant 0 : i32
          %dma_start3A_152 = tpu.memref_slice %arg10[%dma_start3A_150, %dma_start3A_151] : memref<10240x128xf32, #tpu.memory_space<vmem_shared>> -> memref<10240x128xf32, #tpu.memory_space<vmem_shared>>
          tpu.enqueue_indirect_dma source(%dma_start3A_146 : memref<128x128xf32, #tpu.memory_space<vmem>>) target(%dma_start3A_152 : memref<10240x128xf32, #tpu.memory_space<vmem_shared>>) offsets(%dma_start3A_149 : memref<128xi32, #tpu.memory_space<vmem>>) semaphore(%run_scoped3A_142 : memref<!tpu.dma_semaphore, #tpu.memory_space<semaphore_mem>>) {add = true}
          %dma_wait3A_153 = arith.constant 0 : i32
          %dma_wait3A_154 = arith.constant 0 : i32
          %dma_wait3A_155 = tpu.memref_slice %arg9[%run_scoped3A_126, %dma_wait3A_153, %dma_wait3A_154] : memref<2x128x128xf32, #tpu.memory_space<vmem>> -> memref<1x128x128xf32, #tpu.memory_space<vmem>>
          %dma_wait3A_156 = tpu.memref_squeeze %dma_wait3A_155 : memref<1x128x128xf32, #tpu.memory_space<vmem>> -> memref<128x128xf32, #tpu.memory_space<vmem>>
          %dma_wait3A_157 = arith.constant 0 : i32
          %dma_wait3A_158 = tpu.memref_slice %arg8[%add3A_125, %dma_wait3A_157] : memref<40x128xi32, #tpu.memory_space<vmem>> -> memref<1x128xi32, #tpu.memory_space<vmem>>
          %dma_wait3A_159 = tpu.memref_squeeze %dma_wait3A_158 : memref<1x128xi32, #tpu.memory_space<vmem>> -> memref<128xi32, #tpu.memory_space<vmem>>
          %dma_wait3A_160 = arith.constant 0 : i32
          %dma_wait3A_161 = arith.constant 0 : i32
          %dma_wait3A_162 = tpu.memref_slice %arg10[%dma_wait3A_160, %dma_wait3A_161] : memref<10240x128xf32, #tpu.memory_space<vmem_shared>> -> memref<10240x128xf32, #tpu.memory_space<vmem_shared>>
          tpu.wait_indirect_dma semaphore(%run_scoped3A_142 : memref<!tpu.dma_semaphore, #tpu.memory_space<semaphore_mem>>) src(%dma_wait3A_156 : memref<128x128xf32, #tpu.memory_space<vmem>>) dst(%dma_wait3A_162 : memref<10240x128xf32, #tpu.memory_space<vmem_shared>>)
          tpu.yield
        }) : () -> ()
        %add3A_127 = arith.constant 2 : i32
        %add3A_128 = arith.addi %mul3A_79, %add3A_127 : i32
        %add3A_129 = arith.constant 1 : i32
        %add3A_130 = arith.addi %add3A_128, %add3A_129 : i32
        %dma_start3A_131 = arith.constant 1 : i32
        %dma_start3A_132 = arith.constant 0 : i32
        %dma_start3A_133 = arith.constant 0 : i32
        %dma_start3A_134 = tpu.memref_slice %arg9[%dma_start3A_131, %dma_start3A_132, %dma_start3A_133] : memref<2x128x128xf32, #tpu.memory_space<vmem>> -> memref<1x128x128xf32, #tpu.memory_space<vmem>>
        %dma_start3A_135 = tpu.memref_squeeze %dma_start3A_134 : memref<1x128x128xf32, #tpu.memory_space<vmem>> -> memref<128x128xf32, #tpu.memory_space<vmem>>
        %dma_start3A_136 = arith.constant 0 : i32
        %dma_start3A_137 = tpu.memref_slice %arg7[%add3A_130, %dma_start3A_136] : memref<40x128xi32, #tpu.memory_space<vmem>> -> memref<1x128xi32, #tpu.memory_space<vmem>>
        %dma_start3A_138 = tpu.memref_squeeze %dma_start3A_137 : memref<1x128xi32, #tpu.memory_space<vmem>> -> memref<128xi32, #tpu.memory_space<vmem>>
        %dma_start3A_139 = arith.constant 0 : i32
        %dma_start3A_140 = arith.constant 0 : i32
        %dma_start3A_141 = tpu.memref_slice %arg2[%dma_start3A_139, %dma_start3A_140] : memref<10000x128xf32, #tpu.memory_space<hbm>> -> memref<10000x128xf32, #tpu.memory_space<hbm>>
        tpu.enqueue_indirect_dma source(%dma_start3A_141 : memref<10000x128xf32, #tpu.memory_space<hbm>>) target(%dma_start3A_135 : memref<128x128xf32, #tpu.memory_space<vmem>>) offsets(%dma_start3A_138 : memref<128xi32, #tpu.memory_space<vmem>>) semaphore(%arg12 : memref<!tpu.dma_semaphore, #tpu.memory_space<semaphore_mem>>)
      }
      %scan3A_50 = arith.constant 19 : i32
      %dma_wait3A = arith.constant 38 : i32
      %dma_wait3A_51 = arith.constant 0 : i32
      %dma_wait3A_52 = arith.constant 0 : i32
      %dma_wait3A_53 = arith.constant 0 : i32
      %dma_wait3A_54 = tpu.memref_slice %arg9[%dma_wait3A_51, %dma_wait3A_52, %dma_wait3A_53] : memref<2x128x128xf32, #tpu.memory_space<vmem>> -> memref<1x128x128xf32, #tpu.memory_space<vmem>>
      %dma_wait3A_55 = tpu.memref_squeeze %dma_wait3A_54 : memref<1x128x128xf32, #tpu.memory_space<vmem>> -> memref<128x128xf32, #tpu.memory_space<vmem>>
      %dma_wait3A_56 = arith.constant 0 : i32
      %dma_wait3A_57 = tpu.memref_slice %arg7[%dma_wait3A, %dma_wait3A_56] : memref<40x128xi32, #tpu.memory_space<vmem>> -> memref<1x128xi32, #tpu.memory_space<vmem>>
      %dma_wait3A_58 = tpu.memref_squeeze %dma_wait3A_57 : memref<1x128xi32, #tpu.memory_space<vmem>> -> memref<128xi32, #tpu.memory_space<vmem>>
      %dma_wait3A_59 = arith.constant 0 : i32
      %dma_wait3A_60 = arith.constant 0 : i32
      %dma_wait3A_61 = tpu.memref_slice %arg2[%dma_wait3A_59, %dma_wait3A_60] : memref<10000x128xf32, #tpu.memory_space<hbm>> -> memref<10000x128xf32, #tpu.memory_space<hbm>>
      tpu.wait_indirect_dma semaphore(%arg11 : memref<!tpu.dma_semaphore, #tpu.memory_space<semaphore_mem>>) src(%dma_wait3A_61 : memref<10000x128xf32, #tpu.memory_space<hbm>>) dst(%dma_wait3A_55 : memref<128x128xf32, #tpu.memory_space<vmem>>)
      %run_scoped3A = arith.constant 0 : i32
      %run_scoped3A_62 = arith.constant 38 : i32
      "tpu.region"() ({
        %run_scoped3A_77 = tpu.sem_alloc : memref<!tpu.dma_semaphore, #tpu.memory_space<semaphore_mem>>
        %dma_start3A_78 = arith.constant 0 : i32
        %dma_start3A_79 = arith.constant 0 : i32
        %dma_start3A_80 = tpu.memref_slice %arg9[%run_scoped3A, %dma_start3A_78, %dma_start3A_79] : memref<2x128x128xf32, #tpu.memory_space<vmem>> -> memref<1x128x128xf32, #tpu.memory_space<vmem>>
        %dma_start3A_81 = tpu.memref_squeeze %dma_start3A_80 : memref<1x128x128xf32, #tpu.memory_space<vmem>> -> memref<128x128xf32, #tpu.memory_space<vmem>>
        %dma_start3A_82 = arith.constant 0 : i32
        %dma_start3A_83 = tpu.memref_slice %arg8[%run_scoped3A_62, %dma_start3A_82] : memref<40x128xi32, #tpu.memory_space<vmem>> -> memref<1x128xi32, #tpu.memory_space<vmem>>
        %dma_start3A_84 = tpu.memref_squeeze %dma_start3A_83 : memref<1x128xi32, #tpu.memory_space<vmem>> -> memref<128xi32, #tpu.memory_space<vmem>>
        %dma_start3A_85 = arith.constant 0 : i32
        %dma_start3A_86 = arith.constant 0 : i32
        %dma_start3A_87 = tpu.memref_slice %arg10[%dma_start3A_85, %dma_start3A_86] : memref<10240x128xf32, #tpu.memory_space<vmem_shared>> -> memref<10240x128xf32, #tpu.memory_space<vmem_shared>>
        tpu.enqueue_indirect_dma source(%dma_start3A_81 : memref<128x128xf32, #tpu.memory_space<vmem>>) target(%dma_start3A_87 : memref<10240x128xf32, #tpu.memory_space<vmem_shared>>) offsets(%dma_start3A_84 : memref<128xi32, #tpu.memory_space<vmem>>) semaphore(%run_scoped3A_77 : memref<!tpu.dma_semaphore, #tpu.memory_space<semaphore_mem>>) {add = true}
        %dma_wait3A_88 = arith.constant 0 : i32
        %dma_wait3A_89 = arith.constant 0 : i32
        %dma_wait3A_90 = tpu.memref_slice %arg9[%run_scoped3A, %dma_wait3A_88, %dma_wait3A_89] : memref<2x128x128xf32, #tpu.memory_space<vmem>> -> memref<1x128x128xf32, #tpu.memory_space<vmem>>
        %dma_wait3A_91 = tpu.memref_squeeze %dma_wait3A_90 : memref<1x128x128xf32, #tpu.memory_space<vmem>> -> memref<128x128xf32, #tpu.memory_space<vmem>>
        %dma_wait3A_92 = arith.constant 0 : i32
        %dma_wait3A_93 = tpu.memref_slice %arg8[%run_scoped3A_62, %dma_wait3A_92] : memref<40x128xi32, #tpu.memory_space<vmem>> -> memref<1x128xi32, #tpu.memory_space<vmem>>
        %dma_wait3A_94 = tpu.memref_squeeze %dma_wait3A_93 : memref<1x128xi32, #tpu.memory_space<vmem>> -> memref<128xi32, #tpu.memory_space<vmem>>
        %dma_wait3A_95 = arith.constant 0 : i32
        %dma_wait3A_96 = arith.constant 0 : i32
        %dma_wait3A_97 = tpu.memref_slice %arg10[%dma_wait3A_95, %dma_wait3A_96] : memref<10240x128xf32, #tpu.memory_space<vmem_shared>> -> memref<10240x128xf32, #tpu.memory_space<vmem_shared>>
        tpu.wait_indirect_dma semaphore(%run_scoped3A_77 : memref<!tpu.dma_semaphore, #tpu.memory_space<semaphore_mem>>) src(%dma_wait3A_91 : memref<128x128xf32, #tpu.memory_space<vmem>>) dst(%dma_wait3A_97 : memref<10240x128xf32, #tpu.memory_space<vmem_shared>>)
        tpu.yield
      }) : () -> ()
      %dma_wait3A_63 = arith.constant 39 : i32
      %dma_wait3A_64 = arith.constant 1 : i32
      %dma_wait3A_65 = arith.constant 0 : i32
      %dma_wait3A_66 = arith.constant 0 : i32
      %dma_wait3A_67 = tpu.memref_slice %arg9[%dma_wait3A_64, %dma_wait3A_65, %dma_wait3A_66] : memref<2x128x128xf32, #tpu.memory_space<vmem>> -> memref<1x128x128xf32, #tpu.memory_space<vmem>>
      %dma_wait3A_68 = tpu.memref_squeeze %dma_wait3A_67 : memref<1x128x128xf32, #tpu.memory_space<vmem>> -> memref<128x128xf32, #tpu.memory_space<vmem>>
      %dma_wait3A_69 = arith.constant 0 : i32
      %dma_wait3A_70 = tpu.memref_slice %arg7[%dma_wait3A_63, %dma_wait3A_69] : memref<40x128xi32, #tpu.memory_space<vmem>> -> memref<1x128xi32, #tpu.memory_space<vmem>>
      %dma_wait3A_71 = tpu.memref_squeeze %dma_wait3A_70 : memref<1x128xi32, #tpu.memory_space<vmem>> -> memref<128xi32, #tpu.memory_space<vmem>>
      %dma_wait3A_72 = arith.constant 0 : i32
      %dma_wait3A_73 = arith.constant 0 : i32
      %dma_wait3A_74 = tpu.memref_slice %arg2[%dma_wait3A_72, %dma_wait3A_73] : memref<10000x128xf32, #tpu.memory_space<hbm>> -> memref<10000x128xf32, #tpu.memory_space<hbm>>
      tpu.wait_indirect_dma semaphore(%arg12 : memref<!tpu.dma_semaphore, #tpu.memory_space<semaphore_mem>>) src(%dma_wait3A_74 : memref<10000x128xf32, #tpu.memory_space<hbm>>) dst(%dma_wait3A_68 : memref<128x128xf32, #tpu.memory_space<vmem>>)
      %run_scoped3A_75 = arith.constant 1 : i32
      %run_scoped3A_76 = arith.constant 39 : i32
      "tpu.region"() ({
        %run_scoped3A_77 = tpu.sem_alloc : memref<!tpu.dma_semaphore, #tpu.memory_space<semaphore_mem>>
        %dma_start3A_78 = arith.constant 0 : i32
        %dma_start3A_79 = arith.constant 0 : i32
        %dma_start3A_80 = tpu.memref_slice %arg9[%run_scoped3A_75, %dma_start3A_78, %dma_start3A_79] : memref<2x128x128xf32, #tpu.memory_space<vmem>> -> memref<1x128x128xf32, #tpu.memory_space<vmem>>
        %dma_start3A_81 = tpu.memref_squeeze %dma_start3A_80 : memref<1x128x128xf32, #tpu.memory_space<vmem>> -> memref<128x128xf32, #tpu.memory_space<vmem>>
        %dma_start3A_82 = arith.constant 0 : i32
        %dma_start3A_83 = tpu.memref_slice %arg8[%run_scoped3A_76, %dma_start3A_82] : memref<40x128xi32, #tpu.memory_space<vmem>> -> memref<1x128xi32, #tpu.memory_space<vmem>>
        %dma_start3A_84 = tpu.memref_squeeze %dma_start3A_83 : memref<1x128xi32, #tpu.memory_space<vmem>> -> memref<128xi32, #tpu.memory_space<vmem>>
        %dma_start3A_85 = arith.constant 0 : i32
        %dma_start3A_86 = arith.constant 0 : i32
        %dma_start3A_87 = tpu.memref_slice %arg10[%dma_start3A_85, %dma_start3A_86] : memref<10240x128xf32, #tpu.memory_space<vmem_shared>> -> memref<10240x128xf32, #tpu.memory_space<vmem_shared>>
        tpu.enqueue_indirect_dma source(%dma_start3A_81 : memref<128x128xf32, #tpu.memory_space<vmem>>) target(%dma_start3A_87 : memref<10240x128xf32, #tpu.memory_space<vmem_shared>>) offsets(%dma_start3A_84 : memref<128xi32, #tpu.memory_space<vmem>>) semaphore(%run_scoped3A_77 : memref<!tpu.dma_semaphore, #tpu.memory_space<semaphore_mem>>) {add = true}
        %dma_wait3A_88 = arith.constant 0 : i32
        %dma_wait3A_89 = arith.constant 0 : i32
        %dma_wait3A_90 = tpu.memref_slice %arg9[%run_scoped3A_75, %dma_wait3A_88, %dma_wait3A_89] : memref<2x128x128xf32, #tpu.memory_space<vmem>> -> memref<1x128x128xf32, #tpu.memory_space<vmem>>
        %dma_wait3A_91 = tpu.memref_squeeze %dma_wait3A_90 : memref<1x128x128xf32, #tpu.memory_space<vmem>> -> memref<128x128xf32, #tpu.memory_space<vmem>>
        %dma_wait3A_92 = arith.constant 0 : i32
        %dma_wait3A_93 = tpu.memref_slice %arg8[%run_scoped3A_76, %dma_wait3A_92] : memref<40x128xi32, #tpu.memory_space<vmem>> -> memref<1x128xi32, #tpu.memory_space<vmem>>
        %dma_wait3A_94 = tpu.memref_squeeze %dma_wait3A_93 : memref<1x128xi32, #tpu.memory_space<vmem>> -> memref<128xi32, #tpu.memory_space<vmem>>
        %dma_wait3A_95 = arith.constant 0 : i32
        %dma_wait3A_96 = arith.constant 0 : i32
        %dma_wait3A_97 = tpu.memref_slice %arg10[%dma_wait3A_95, %dma_wait3A_96] : memref<10240x128xf32, #tpu.memory_space<vmem_shared>> -> memref<10240x128xf32, #tpu.memory_space<vmem_shared>>
        tpu.wait_indirect_dma semaphore(%run_scoped3A_77 : memref<!tpu.dma_semaphore, #tpu.memory_space<semaphore_mem>>) src(%dma_wait3A_91 : memref<128x128xf32, #tpu.memory_space<vmem>>) dst(%dma_wait3A_97 : memref<10240x128xf32, #tpu.memory_space<vmem_shared>>)
        tpu.yield
      }) : () -> ()
    }
    %scan3A_9 = arith.constant 2 : i32
    %barrier3A_10 = arith.constant 0 : index
    tpu.barrier barrier_id(%barrier3A_10)
    %mul3A_11 = arith.constant 640 : i32
    %mul3A_12 = arith.muli %arg1, %mul3A_11 : i32
    %mul3A_13 = arith.constant 640 : i32
    %mul3A_14 = arith.muli %arg1, %mul3A_13 : i32
    "tpu.region"() ({
      %run_scoped3A = tpu.sem_alloc : memref<!tpu.dma_semaphore, #tpu.memory_space<semaphore_mem>>
      %dma_start3A = arith.constant 0 : i32
      %dma_start3A_15 = tpu.memref_slice %arg6[%arg0, %mul3A_14, %dma_start3A] : memref<2x10240x128xf32, #tpu.memory_space<hbm>> -> memref<1x640x128xf32, #tpu.memory_space<hbm>>
      %dma_start3A_16 = tpu.memref_squeeze %dma_start3A_15 : memref<1x640x128xf32, #tpu.memory_space<hbm>> -> memref<640x128xf32, #tpu.memory_space<hbm>>
      %dma_start3A_17 = arith.constant 0 : i32
      %dma_start3A_18 = tpu.memref_slice %arg10[%mul3A_12, %dma_start3A_17] : memref<10240x128xf32, #tpu.memory_space<vmem_shared>> -> memref<640x128xf32, #tpu.memory_space<vmem_shared>>
      tpu.enqueue_dma source(%dma_start3A_18 : memref<640x128xf32, #tpu.memory_space<vmem_shared>>) target(%dma_start3A_16 : memref<640x128xf32, #tpu.memory_space<hbm>>) target_semaphore(%run_scoped3A : memref<!tpu.dma_semaphore, #tpu.memory_space<semaphore_mem>>)
      %dma_wait3A = arith.constant 0 : i32
      %dma_wait3A_19 = tpu.memref_slice %arg6[%arg0, %mul3A_14, %dma_wait3A] : memref<2x10240x128xf32, #tpu.memory_space<hbm>> -> memref<1x640x128xf32, #tpu.memory_space<hbm>>
      %dma_wait3A_20 = tpu.memref_squeeze %dma_wait3A_19 : memref<1x640x128xf32, #tpu.memory_space<hbm>> -> memref<640x128xf32, #tpu.memory_space<hbm>>
      %dma_wait3A_21 = arith.constant 0 : i32
      %dma_wait3A_22 = tpu.memref_slice %arg10[%mul3A_12, %dma_wait3A_21] : memref<10240x128xf32, #tpu.memory_space<vmem_shared>> -> memref<640x128xf32, #tpu.memory_space<vmem_shared>>
      tpu.wait_dma2 semaphore(%run_scoped3A : memref<!tpu.dma_semaphore, #tpu.memory_space<semaphore_mem>>) src(%dma_wait3A_22 : memref<640x128xf32, #tpu.memory_space<vmem_shared>>) dst(%dma_wait3A_20 : memref<640x128xf32, #tpu.memory_space<hbm>>)
      tpu.yield
    }) : () -> ()
    return
  }
}

module attributes {stable_mosaic.version = 14 : i64} {
  func.func @_mm_body(%arg0: i32, %arg1: memref<1000x128xf32, #tpu.memory_space<vmem>>, %arg2: memref<128x128xf32, #tpu.memory_space<vmem>>, %arg3: memref<1000x128xf32, #tpu.memory_space<vmem>>) attributes {dimension_semantics = [#tpu.dimension_semantics<arbitrary>], iteration_bounds = array<i64: 10>, scalar_prefetch = 0 : i64, scratch_operands = 0 : i64, tpu.core_type = #tpu.core_type<tc>, window_params = [{transform_indices = @transform_0, window_bounds = array<i64: 1000, 128>}, {pipeline_mode = #tpu.pipeline_mode<synchronous>, transform_indices = @transform_1, window_bounds = array<i64: 128, 128>}, {transform_indices = @transform_2, window_bounds = array<i64: 1000, 128>}]} {
    %get3A = arith.constant 0 : index
    %get3A_0 = arith.constant 0 : index
    %get3A_1 = vector.load %arg1[%get3A, %get3A_0] : memref<1000x128xf32, #tpu.memory_space<vmem>>, vector<1000x128xf32>
    %get3A_2 = arith.constant 0 : index
    %get3A_3 = arith.constant 0 : index
    %get3A_4 = vector.load %arg2[%get3A_2, %get3A_3] : memref<128x128xf32, #tpu.memory_space<vmem>>, vector<128x128xf32>
    %dot_general3A = arith.constant dense<0.000000e+00> : vector<1000x128xf32>
    %dot_general3A_5 = tpu.matmul %get3A_1, %get3A_4, %dot_general3A {dimension_numbers = #tpu.dot_dimension_numbers<[1], [1], [0], [0], [0, 0, 1, 0], [], []>, transpose_lhs_hint = false} : vector<1000x128xf32>, vector<128x128xf32>, vector<1000x128xf32> -> vector<1000x128xf32>
    %swap3A = arith.constant 0 : index
    %swap3A_6 = arith.constant 0 : index
    %swap3A_7 = vector.load %arg3[%swap3A, %swap3A_6] : memref<1000x128xf32, #tpu.memory_space<vmem>>, vector<1000x128xf32>
    tpu.vector_store %arg3[%swap3A, %swap3A_6], %dot_general3A_5 {strides = array<i32>} : memref<1000x128xf32, #tpu.memory_space<vmem>>, vector<1000x128xf32>,
    return
  }
  func.func @transform_0(%arg0: i32) -> (i32, i32) {
    %c0_i32 = arith.constant 0 : i32
    %c0_i32_0 = arith.constant 0 : i32
    return %arg0, %c0_i32 : i32, i32
  }
  func.func @transform_1(%arg0: i32) -> (i32, i32) {
    %c0_i32 = arith.constant 0 : i32
    %c0_i32_0 = arith.constant 0 : i32
    %c0_i32_1 = arith.constant 0 : i32
    return %c0_i32, %c0_i32_0 : i32, i32
  }
  func.func @transform_2(%arg0: i32) -> (i32, i32) {
    %c0_i32 = arith.constant 0 : i32
    %c0_i32_0 = arith.constant 0 : i32
    return %arg0, %c0_i32 : i32, i32
  }
}

module attributes {stable_mosaic.version = 14 : i64} {
  func.func @_degcol_body(%arg0: i32, %arg1: memref<2x1000x128xf32, #tpu.memory_space<vmem>>, %arg2: memref<1000x1xf32, #tpu.memory_space<vmem>>) attributes {dimension_semantics = [#tpu.dimension_semantics<arbitrary>], iteration_bounds = array<i64: 10>, scalar_prefetch = 0 : i64, scratch_operands = 0 : i64, tpu.core_type = #tpu.core_type<tc>, window_params = [{transform_indices = @transform_0, window_bounds = array<i64: 2, 1000, 128>}, {transform_indices = @transform_1, window_bounds = array<i64: 1000, 1>}]} {
    %get3A = arith.constant 0 : index
    %get3A_0 = arith.constant 0 : index
    %get3A_1 = arith.constant 0 : index
    %get3A_2 = vector.load %arg1[%get3A, %get3A_0, %get3A_1] : memref<2x1000x128xf32, #tpu.memory_space<vmem>>, vector<1x1000x1xf32>
    %get3A_3 = vector.shape_cast %get3A_2 : vector<1x1000x1xf32> to vector<1000x1xf32>
    %get3A_4 = arith.constant 1 : index
    %get3A_5 = arith.constant 0 : index
    %get3A_6 = arith.constant 0 : index
    %get3A_7 = vector.load %arg1[%get3A_4, %get3A_5, %get3A_6] : memref<2x1000x128xf32, #tpu.memory_space<vmem>>, vector<1x1000x1xf32>
    %get3A_8 = vector.shape_cast %get3A_7 : vector<1x1000x1xf32> to vector<1000x1xf32>
    %add3A = arith.addf %get3A_3, %get3A_8 : vector<1000x1xf32>
    %max3A = arith.constant 1.000000e+00 : f32
    %max3A_9 = vector.broadcast %max3A : f32 to vector<1000x1xf32>
    %max3A_10 = arith.maximumf %add3A, %max3A_9 : vector<1000x1xf32>
    %swap3A = arith.constant 0 : index
    %swap3A_11 = arith.constant 0 : index
    %swap3A_12 = vector.load %arg2[%swap3A, %swap3A_11] : memref<1000x1xf32, #tpu.memory_space<vmem>>, vector<1000x1xf32>
    tpu.vector_store %arg2[%swap3A, %swap3A_11], %max3A_10 {strides = array<i32>} : memref<1000x1xf32, #tpu.memory_space<vmem>>, vector<1000x1xf32>,
    return
  }
  func.func @transform_0(%arg0: i32) -> (i32, i32, i32) {
    %c0_i32 = arith.constant 0 : i32
    %c0_i32_0 = arith.constant 0 : i32
    %c0_i32_1 = arith.constant 0 : i32
    return %c0_i32, %arg0, %c0_i32_0 : i32, i32, i32
  }
  func.func @transform_1(%arg0: i32) -> (i32, i32) {
    %c0_i32 = arith.constant 0 : i32
    %c0_i32_0 = arith.constant 0 : i32
    return %arg0, %c0_i32 : i32, i32
  }
}

module attributes {stable_mosaic.version = 14 : i64} {
  func.func @_mid_body(%arg0: i32, %arg1: memref<1000x128xf32, #tpu.memory_space<vmem>>, %arg2: memref<2x1000x128xf32, #tpu.memory_space<vmem>>, %arg3: memref<1000x1xf32, #tpu.memory_space<vmem>>, %arg4: memref<1x128xf32, #tpu.memory_space<vmem>>, %arg5: memref<128x128xf32, #tpu.memory_space<vmem>>, %arg6: memref<1000x128xf32, #tpu.memory_space<vmem>>) attributes {dimension_semantics = [#tpu.dimension_semantics<arbitrary>], iteration_bounds = array<i64: 10>, scalar_prefetch = 0 : i64, scratch_operands = 0 : i64, tpu.core_type = #tpu.core_type<tc>, window_params = [{transform_indices = @transform_0, window_bounds = array<i64: 1000, 128>}, {transform_indices = @transform_1, window_bounds = array<i64: 2, 1000, 128>}, {transform_indices = @transform_2, window_bounds = array<i64: 1000, 1>}, {pipeline_mode = #tpu.pipeline_mode<synchronous>, transform_indices = @transform_3, window_bounds = array<i64: 1, 128>}, {pipeline_mode = #tpu.pipeline_mode<synchronous>, transform_indices = @transform_4, window_bounds = array<i64: 128, 128>}, {transform_indices = @transform_5, window_bounds = array<i64: 1000, 128>}]} {
    %get3A = arith.constant 0 : index
    %get3A_0 = arith.constant 0 : index
    %get3A_1 = arith.constant 0 : index
    %get3A_2 = vector.load %arg2[%get3A, %get3A_0, %get3A_1] : memref<2x1000x128xf32, #tpu.memory_space<vmem>>, vector<1x1000x128xf32>
    %get3A_3 = vector.shape_cast %get3A_2 : vector<1x1000x128xf32> to vector<1000x128xf32>
    %get3A_4 = arith.constant 1 : index
    %get3A_5 = arith.constant 0 : index
    %get3A_6 = arith.constant 0 : index
    %get3A_7 = vector.load %arg2[%get3A_4, %get3A_5, %get3A_6] : memref<2x1000x128xf32, #tpu.memory_space<vmem>>, vector<1x1000x128xf32>
    %get3A_8 = vector.shape_cast %get3A_7 : vector<1x1000x128xf32> to vector<1000x128xf32>
    %add3A = arith.addf %get3A_3, %get3A_8 : vector<1000x128xf32>
    %get3A_9 = arith.constant 0 : index
    %get3A_10 = arith.constant 0 : index
    %get3A_11 = vector.load %arg1[%get3A_9, %get3A_10] : memref<1000x128xf32, #tpu.memory_space<vmem>>, vector<1000x128xf32>
    %get3A_12 = arith.constant 0 : index
    %get3A_13 = arith.constant 0 : index
    %get3A_14 = vector.load %arg3[%get3A_12, %get3A_13] : memref<1000x1xf32, #tpu.memory_space<vmem>>, vector<1000x1xf32>
    %div3A = vector.broadcast %get3A_14 : vector<1000x1xf32> to vector<1000x128xf32>
    %div3A_15 = arith.divf %add3A, %div3A : vector<1000x128xf32>
    %add3A_16 = arith.addf %get3A_11, %div3A_15 : vector<1000x128xf32>
    %get3A_17 = arith.constant 0 : index
    %get3A_18 = arith.constant 0 : index
    %get3A_19 = vector.load %arg4[%get3A_17, %get3A_18] : memref<1x128xf32, #tpu.memory_space<vmem>>, vector<1x128xf32>
    %add3A_20 = vector.broadcast %get3A_19 : vector<1x128xf32> to vector<1000x128xf32>
    %add3A_21 = arith.addf %add3A_16, %add3A_20 : vector<1000x128xf32>
    %max3A = arith.constant 0.000000e+00 : f32
    %max3A_22 = vector.broadcast %max3A : f32 to vector<1000x128xf32>
    %max3A_23 = arith.maximumf %add3A_21, %max3A_22 : vector<1000x128xf32>
    %get3A_24 = arith.constant 0 : index
    %get3A_25 = arith.constant 0 : index
    %get3A_26 = vector.load %arg5[%get3A_24, %get3A_25] : memref<128x128xf32, #tpu.memory_space<vmem>>, vector<128x128xf32>
    %dot_general3A = arith.constant dense<0.000000e+00> : vector<1000x128xf32>
    %dot_general3A_27 = tpu.matmul %max3A_23, %get3A_26, %dot_general3A {dimension_numbers = #tpu.dot_dimension_numbers<[1], [1], [0], [0], [0, 0, 1, 0], [], []>, transpose_lhs_hint = false} : vector<1000x128xf32>, vector<128x128xf32>, vector<1000x128xf32> -> vector<1000x128xf32>
    %swap3A = arith.constant 0 : index
    %swap3A_28 = arith.constant 0 : index
    %swap3A_29 = vector.load %arg6[%swap3A, %swap3A_28] : memref<1000x128xf32, #tpu.memory_space<vmem>>, vector<1000x128xf32>
    tpu.vector_store %arg6[%swap3A, %swap3A_28], %dot_general3A_27 {strides = array<i32>} : memref<1000x128xf32, #tpu.memory_space<vmem>>, vector<1000x128xf32>,
    return
  }
  func.func @transform_0(%arg0: i32) -> (i32, i32) {
    %c0_i32 = arith.constant 0 : i32
    %c0_i32_0 = arith.constant 0 : i32
    return %arg0, %c0_i32 : i32, i32
  }
  func.func @transform_1(%arg0: i32) -> (i32, i32, i32) {
    %c0_i32 = arith.constant 0 : i32
    %c0_i32_0 = arith.constant 0 : i32
    %c0_i32_1 = arith.constant 0 : i32
    return %c0_i32, %arg0, %c0_i32_0 : i32, i32, i32
  }
  func.func @transform_2(%arg0: i32) -> (i32, i32) {
    %c0_i32 = arith.constant 0 : i32
    %c0_i32_0 = arith.constant 0 : i32
    return %arg0, %c0_i32 : i32, i32
  }
  func.func @transform_3(%arg0: i32) -> (i32, i32) {
    %c0_i32 = arith.constant 0 : i32
    %c0_i32_0 = arith.constant 0 : i32
    %c0_i32_1 = arith.constant 0 : i32
    return %c0_i32, %c0_i32_0 : i32, i32
  }
  func.func @transform_4(%arg0: i32) -> (i32, i32) {
    %c0_i32 = arith.constant 0 : i32
    %c0_i32_0 = arith.constant 0 : i32
    %c0_i32_1 = arith.constant 0 : i32
    return %c0_i32, %c0_i32_0 : i32, i32
  }
  func.func @transform_5(%arg0: i32) -> (i32, i32) {
    %c0_i32 = arith.constant 0 : i32
    %c0_i32_0 = arith.constant 0 : i32
    return %arg0, %c0_i32 : i32, i32
  }
}

module attributes {stable_mosaic.version = 14 : i64} {
  func.func @_fin_body(%arg0: i32, %arg1: memref<1000x128xf32, #tpu.memory_space<vmem>>, %arg2: memref<2x1000x128xf32, #tpu.memory_space<vmem>>, %arg3: memref<1000x1xf32, #tpu.memory_space<vmem>>, %arg4: memref<1x128xf32, #tpu.memory_space<vmem>>, %arg5: memref<1000x128xf32, #tpu.memory_space<vmem>>) attributes {dimension_semantics = [#tpu.dimension_semantics<arbitrary>], iteration_bounds = array<i64: 10>, scalar_prefetch = 0 : i64, scratch_operands = 0 : i64, tpu.core_type = #tpu.core_type<tc>, window_params = [{transform_indices = @transform_0, window_bounds = array<i64: 1000, 128>}, {transform_indices = @transform_1, window_bounds = array<i64: 2, 1000, 128>}, {transform_indices = @transform_2, window_bounds = array<i64: 1000, 1>}, {pipeline_mode = #tpu.pipeline_mode<synchronous>, transform_indices = @transform_3, window_bounds = array<i64: 1, 128>}, {transform_indices = @transform_4, window_bounds = array<i64: 1000, 128>}]} {
    %get3A = arith.constant 0 : index
    %get3A_0 = arith.constant 0 : index
    %get3A_1 = arith.constant 0 : index
    %get3A_2 = vector.load %arg2[%get3A, %get3A_0, %get3A_1] : memref<2x1000x128xf32, #tpu.memory_space<vmem>>, vector<1x1000x128xf32>
    %get3A_3 = vector.shape_cast %get3A_2 : vector<1x1000x128xf32> to vector<1000x128xf32>
    %get3A_4 = arith.constant 1 : index
    %get3A_5 = arith.constant 0 : index
    %get3A_6 = arith.constant 0 : index
    %get3A_7 = vector.load %arg2[%get3A_4, %get3A_5, %get3A_6] : memref<2x1000x128xf32, #tpu.memory_space<vmem>>, vector<1x1000x128xf32>
    %get3A_8 = vector.shape_cast %get3A_7 : vector<1x1000x128xf32> to vector<1000x128xf32>
    %add3A = arith.addf %get3A_3, %get3A_8 : vector<1000x128xf32>
    %get3A_9 = arith.constant 0 : index
    %get3A_10 = arith.constant 0 : index
    %get3A_11 = vector.load %arg1[%get3A_9, %get3A_10] : memref<1000x128xf32, #tpu.memory_space<vmem>>, vector<1000x128xf32>
    %get3A_12 = arith.constant 0 : index
    %get3A_13 = arith.constant 0 : index
    %get3A_14 = vector.load %arg3[%get3A_12, %get3A_13] : memref<1000x1xf32, #tpu.memory_space<vmem>>, vector<1000x1xf32>
    %div3A = vector.broadcast %get3A_14 : vector<1000x1xf32> to vector<1000x128xf32>
    %div3A_15 = arith.divf %add3A, %div3A : vector<1000x128xf32>
    %add3A_16 = arith.addf %get3A_11, %div3A_15 : vector<1000x128xf32>
    %get3A_17 = arith.constant 0 : index
    %get3A_18 = arith.constant 0 : index
    %get3A_19 = vector.load %arg4[%get3A_17, %get3A_18] : memref<1x128xf32, #tpu.memory_space<vmem>>, vector<1x128xf32>
    %add3A_20 = vector.broadcast %get3A_19 : vector<1x128xf32> to vector<1000x128xf32>
    %add3A_21 = arith.addf %add3A_16, %add3A_20 : vector<1000x128xf32>
    %swap3A = arith.constant 0 : index
    %swap3A_22 = arith.constant 0 : index
    %swap3A_23 = vector.load %arg5[%swap3A, %swap3A_22] : memref<1000x128xf32, #tpu.memory_space<vmem>>, vector<1000x128xf32>
    tpu.vector_store %arg5[%swap3A, %swap3A_22], %add3A_21 {strides = array<i32>} : memref<1000x128xf32, #tpu.memory_space<vmem>>, vector<1000x128xf32>,
    return
  }
  func.func @transform_0(%arg0: i32) -> (i32, i32) {
    %c0_i32 = arith.constant 0 : i32
    %c0_i32_0 = arith.constant 0 : i32
    return %arg0, %c0_i32 : i32, i32
  }
  func.func @transform_1(%arg0: i32) -> (i32, i32, i32) {
    %c0_i32 = arith.constant 0 : i32
    %c0_i32_0 = arith.constant 0 : i32
    %c0_i32_1 = arith.constant 0 : i32
    return %c0_i32, %arg0, %c0_i32_0 : i32, i32, i32
  }
  func.func @transform_2(%arg0: i32) -> (i32, i32) {
    %c0_i32 = arith.constant 0 : i32
    %c0_i32_0 = arith.constant 0 : i32
    return %arg0, %c0_i32 : i32, i32
  }
  func.func @transform_3(%arg0: i32) -> (i32, i32) {
    %c0_i32 = arith.constant 0 : i32
    %c0_i32_0 = arith.constant 0 : i32
    %c0_i32_1 = arith.constant 0 : i32
    return %c0_i32, %c0_i32_0 : i32, i32
  }
  func.func @transform_4(%arg0: i32) -> (i32, i32) {
    %c0_i32 = arith.constant 0 : i32
    %c0_i32_0 = arith.constant 0 : i32
    return %arg0, %c0_i32 : i32, i32
  }
}

</mosaic_0001>

<sc_bundles>
// kernel: kernel.12.cloned.1.call-start
scs
__scs_entry_jumppad:
0x0: {  	(pc) =	sbr.rel $0x88, $3  }
0x1: {  	(tag) =	ssettag $0x0;
	lr =	simm.s32 $0x1  }
0x2: {  	[smem:$0x3F9B] =	sst lr;
	_ =	strace $0xD0000000  }
0x3: {  	_ = 	snop  }
0x4: {  	_ = 	snop  }
0x5: {  	_ = 	snop  }
0x6: {  	_ = 	snop  }
0x7: {  	_ = 	snop  }
__scs_overlays_trampoline_lowered:
0x8: {  	[smem:$0x3FAA] =	sst s0  }
0x9: {  	[smem:$0x3FAB] =	sst s1  }
0xa: {  	[smem:$0x3FAC] =	sst s2  }
0xb: {  	[smem:$0x3FAD] =	sst s3  }
0xc: {  	[smem:$0x3FAE] =	sst s4  }
0xd: {  	[smem:$0x3FAF] =	sst s5  }
0xe: {  	[smem:$0x3FB0] =	sst s6  }
0xf: {  	[smem:$0x3FB1] =	sst s7  }
0x10: {  	[smem:$0x3FB2] =	sst s8  }
0x11: {  	[smem:$0x3FB3] =	sst s9;
	s0 =	simm.s32 @!p0 $0x0  }
0x12: {  	s1 =	sld [smem:$0x3F99];
	s0 =	simm.s32 @p0 $0x1  }
0x13: {  	[smem:$0x3FB4] =	sst s0;
	s0 =	simm.s32 @!p1 $0x0  }
0x14: {  	s2 =	sld [smem:$0x3F98];
	s0 =	simm.s32 @p1 $0x1  }
0x15: {  	[smem:$0x3FB5] =	sst s0;
	s0 =	simm.s32 @!p2 $0x0  }
0x16: {  	s3 =	sld [smem:$0x3FDB];
	s0 =	simm.s32 @p2 $0x1  }
0x17: {  	s4 =	simm.s32 $0x1BF5;
	[smem:$0x3FB7] =	sst s0  }
0x18: {  	s0 =	sld [smem:$0x3F9A];
	_ =	swait.ge [sflag:s4], $0x0  }
0x19: {  	s7 =	sld [smem:$0x3F9B]  }
0x1a: {  	s8 =	sadd.s32 $0xFFFFE003, lr  }
0x1b: {  	s9 =	sadd.s32 $0xFFFFFEF7, lr;
	s5 =	simm.s32 $0xFFFFFFFF;
	p2 =	slt.u32 s8, $0xFFFFF086  }
0x1c: {  	p1 =	slt.u32 s9, $0xF7A;
	s5 =	simm.s32 @!p2 $0x0  }
0x1d: {  	s5 =	simm.s32 @p1 $0x1;
	p0 =	seq.s32 s7, s2  }
0x1e: {  	s7 =	smul.u32 @!p0 $0xF7A, s2;
	p2 =	seq.s32 @!p0 s5, $0x0  }
0x1f: {  	s9 =	smul.u32 $0xF7A, s1;
	s8 =	simm.s32 @!p0 $0x1BF5;
	p2 =	por !p2, p0  }
0x20: {  	[sflag:s8] =	ssyncset.s32 @!p0 $0xFFFFF086;
	s6 =	sadd.s32 @!p0 s3, s7;
	s7 =	simm.s32 @!p0 $0x108  }
0x21: {  	s3 =	sadd.s32 s3, s9;
	s6 =	sadd.s32 @!p0 $0x88, s6;
	s7 =	simm.s32 @p2 $0x1082  }
0x22: {  	[simem:s7], [sflag:s8] =	dma.local @!p0 [hbm:s6], $0xF7A  }
0x23: {  	s9 =	sor.u32 $0xD0000000, s2;
	s6 =	simm.s32 $0x108;
	_ =	swait.ge @!p0 [sflag:s8], $0x0  }
0x24: {  	s3 =	sadd.s32 $0x88, s3;
	s6 =	simm.s32 @!p1 $0x1082;
	[sflag:s4] =	ssyncset.s32 $0xFFFFF086  }
0x25: {  	[simem:s6], [sflag:s4] =	dma.local [hbm:s3], $0xF7A  }
0x26: {  	[smem:$0x3F9B] =	sst s1;
	(tag) =	ssettag s2;
	_ =	strace s9  }
0x27: {  	s1 =	sld [smem:$0x3FAB]  }
0x28: {  	s2 =	sld [smem:$0x3FAC]  }
0x29: {  	s4 =	sld [smem:$0x3FAE]  }
0x2a: {  	p0 =	seq.s32 s5, $0x0;
	s5 =	sld [smem:$0x3FAF]  }
0x2b: {  	s6 =	sld [smem:$0x3FB0]  }
0x2c: {  	s7 =	sld [smem:$0x3FB1]  }
0x2d: {  	s3 =	simm.s32 $0x108;
	s8 =	sld [smem:$0x3FB2]  }
0x2e: {  	s3 =	simm.s32 @!p0 $0x1082;
	s9 =	sld [smem:$0x3FB3]  }
0x2f: {  	lr =	sadd.s32 s0, s3;
	s0 =	sld [smem:$0x3FAA]  }
0x30: {  	s3 =	sld [smem:$0x3FAD]  }
0x31: {  	[smem:$0x3FB6] =	sst s10  }
0x32: {  	s10 =	sld [smem:$0x3FB4];
	_ =	sdelay $0x3  }
0x33: {  	p0 =	seq.s32 s10, $0x1;
	s10 =	sld [smem:$0x3FB6];
	_ =	sdelay $0x3  }
0x34: {  	[smem:$0x3FB6] =	sst s10  }
0x35: {  	s10 =	sld [smem:$0x3FB5];
	_ =	sdelay $0x3  }
0x36: {  	p1 =	seq.s32 s10, $0x1;
	s10 =	sld [smem:$0x3FB6];
	_ =	sdelay $0x3  }
0x37: {  	[smem:$0x3FB6] =	sst s10  }
0x38: {  	s10 =	sld [smem:$0x3FB7]  }
0x39: {  	_ = 	snop;
	(pc) =	sbr.ind lr, $3  }
0x3a: {  	_ = 	snop  }
0x3b: {  	_ = 	snop  }
0x3c: {  	p2 =	seq.s32 s10, $0x1;
	s10 =	sld [smem:$0x3FB6]  }
0x3d: {  	_ =	shalt  }
0x3e: {  	_ =	shalt  }
0x3f: {  	_ =	shalt  }
0x40: {  	_ =	shalt  }
0x41: {  	_ =	shalt  }
0x42: {  	_ =	shalt  }
0x43: {  	_ =	shalt  }
0x44: {  	_ =	shalt  }
0x45: {  	_ =	shalt  }
0x46: {  	_ =	shalt  }
0x47: {  	_ =	shalt  }
0x48: {  	_ =	shalt  }
0x49: {  	_ =	shalt  }
0x4a: {  	_ =	shalt  }
0x4b: {  	_ =	shalt  }
0x4c: {  	_ =	shalt  }
0x4d: {  	_ =	shalt  }
0x4e: {  	_ =	shalt  }
0x4f: {  	_ =	shalt  }
0x50: {  	_ =	shalt  }
0x51: {  	_ =	shalt  }
0x52: {  	_ =	shalt  }
0x53: {  	_ =	shalt  }
0x54: {  	_ =	shalt  }
0x55: {  	_ =	shalt  }
0x56: {  	_ =	shalt  }
0x57: {  	_ =	shalt  }
0x58: {  	_ =	shalt  }
0x59: {  	_ =	shalt  }
0x5a: {  	_ =	shalt  }
0x5b: {  	_ =	shalt  }
0x5c: {  	_ =	shalt  }
0x5d: {  	_ =	shalt  }
0x5e: {  	_ =	shalt  }
0x5f: {  	_ =	shalt  }
0x60: {  	_ =	shalt  }
0x61: {  	_ =	shalt  }
0x62: {  	_ =	shalt  }
0x63: {  	_ =	shalt  }
0x64: {  	_ =	shalt  }
0x65: {  	_ =	shalt  }
0x66: {  	_ =	shalt  }
0x67: {  	_ =	shalt  }
0x68: {  	_ =	shalt  }
0x69: {  	_ =	shalt  }
0x6a: {  	_ =	shalt  }
0x6b: {  	_ =	shalt  }
0x6c: {  	_ =	shalt  }
0x6d: {  	_ =	shalt  }
0x6e: {  	_ =	shalt  }
0x6f: {  	_ =	shalt  }
0x70: {  	_ =	shalt  }
0x71: {  	_ =	shalt  }
0x72: {  	_ =	shalt  }
0x73: {  	_ =	shalt  }
0x74: {  	_ =	shalt  }
0x75: {  	_ =	shalt  }
0x76: {  	_ =	shalt  }
0x77: {  	_ =	shalt  }
0x78: {  	_ =	shalt  }
0x79: {  	_ =	shalt  }
0x7a: {  	_ =	shalt  }
0x7b: {  	_ =	shalt  }
0x7c: {  	_ =	shalt  }
0x7d: {  	_ =	shalt  }
0x7e: {  	_ =	shalt  }
0x7f: {  	_ =	shalt  }
0x80: {  	_ =	shalt  }
0x81: {  	_ =	shalt  }
0x82: {  	_ =	shalt  }
0x83: {  	_ =	shalt  }
0x84: {  	_ =	shalt  }
0x85: {  	_ =	shalt  }
0x86: {  	_ =	shalt  }
0x87: {  	_ =	shalt  }
.Lfunc_end0:
.L_simem_size_0:
called_computation.1_lowered:
.L_overlay_start_0:
0x88: {  	s2 =	sld [smem:$0x3FD9]  }
0x89: {  	s3 =	sld [smem:$0x3FFE];
	_ =	sdelay $0x1  }
0x8a: {  	s1 =	srdreg.scid  }
0x8b: {  	s0 =	sand.u32 $0x1, s1  }
0x8c: {  	s17 =	sshll.u32 s0, $0xA;
	s2 =	sadd.s32 s3, s2  }
0x8d: {  	s2 =	sadd.s32 s2, s17  }
0x8e: {  	[smem:$0x3FC2] =	sst s2  }
0x8f: {  	_ = 	snop  }
0x90: {  	s18 =	sld [smem:$0x3FD0];
	(tm) =	ssettm $0x1  }
0x91: {  	s19 =	sld [smem:$0x3FFB];
	_ =	sdelay $0x3  }
0x92: {  	_ =	strace s19  }
0x93: {  	s2 =	sld [smem:$0x3FFC];
	_ =	sdelay $0x3  }
0x94: {  	_ =	strace s2  }
0x95: {  	s2 =	sld [smem:$0x3FFD];
	_ =	sdelay $0x3  }
0x96: {  	_ =	strace s2  }
0x97: {  	_ =	strace $0x8FFFFFFF  }
0x98: {  	s20 =	sld [smem:$0x3FDB];
	_ =	sdelay $0x1  }
0x99: {  	s4 =	simm.s32 $_scs_section_size  }
0x9a: {  	s5 =	simm.s32 $_size__tile_overlayer_lowered;
	s6 =	simm.s32 $_tile_overlayer_lowered  }
0x9b: {  	s7 =	simm.s32 $0x1BFF;
	s21 =	sshll.u32 s6, $0x1;
	s4 =	sadd.s32 s4, s20  }
0x9c: {  	s22 =	simm.s32 $0x0;
	s5 =	sshll.u32 s5, $0x1;
	s6 =	sadd.s32 s21, s4  }
0x9d: {  	[timem:s22], [sflag:s7] =	dma.local [hbm:s6], s5  }
0x9e: {  	_ =	swait.ge [sflag:s7], s5  }
0x9f: {  	s5 =	ssub.s32 $0x0, s5;
	[sflag:s7] =	ssyncset.done $0x0  }
0xa0: {  	[sflag:s7] =	ssyncadd.s32 s5;
	_ =	sdelay $0x1  }
0xa1: {  	s23 =	simm.s32 $0x1B8B  }
0xa2: {  	_ =	swait.ge [sflag:s23], $0x1  }
0xa3: {  	[sflag:s23] =	ssyncset.done $0x0  }
0xa4: {  	[sflag:s23] =	ssyncadd.s32 $0xFFFFFFFF  }
0xa5: {  	s5 =	sld [smem:$0x0]  }
0xa6: {  	s6 =	sand.u32 $0xFFFFFFFE, s1  }
0xa7: {  	p0 =	sne.s32 s1, s6  }
0xa8: {  	s6 =	sshll.u32 @p0 s6, $0xE  }
0xa9: {  	s6 =	sadd.s32 @p0 $0x11B8D, s6;
	s7 =	sshll.u32 @p0 s5, $0x11  }
0xaa: {  	s6 =	sor.u32 @p0 s7, s6  }
0xab: {  	[sflag:s6] =	ssyncadd.remote.s32 @p0 $0x1;
	_ =	sdelay $0x1  }
0xac: {  	s6 =	simm.s32 @p0 $0x1B8D  }
0xad: {  	_ =	swait.eq @p0 [sflag:s6], $0x1  }
0xae: {  	[sflag:s6] =	ssyncadd.s32 @p0 $0xFFFFFFFF  }
0xaf: {  	s7 =	sshll.u32 @!p0 s1, $0xE  }
0xb0: {  	s7 =	sor.u32 @!p0 $0x4000, s7;
	s6 =	simm.s32 @!p0 $0x1B8D  }
0xb1: {  	s5 =	sshll.u32 @!p0 s5, $0x11;
	s7 =	sadd.s32 @!p0 $0x11B8D, s7;
	_ =	swait.eq @!p0 [sflag:s6], $0x1  }
0xb2: {  	s5 =	sor.u32 @!p0 s5, s7;
	[sflag:s6] =	ssyncadd.s32 @!p0 $0xFFFFFFFF  }
0xb3: {  	s25 =	simm.s32 $0x1B8E;
	s24 =	sld [smem:$0x3FFE];
	[sflag:s5] =	ssyncadd.remote.s32 @!p0 $0x1  }
0xb4: {  	s26 =	simm.s32 $execute0_lowered;
	[smem:$0x3FD2] =	sst s25  }
0xb5: {  	s6 =	sshll.u32 s26, $0x1;
	_ =	strace $0x80000049;
	[dreg:$0x1] =	wrdreg $0xFFFFFFFF  }
0xb6: {  	s28 =	simm.s32 $_size_execute0_lowered;
	s4 =	sadd.s32 s4, s6;
	[dreg:$0x0] =	wrdreg $0x0  }
0xb7: {  	s6 =	sshll.u32 s28, $0x1;
	[dreg:$0x2] =	wrdreg s4  }
0xb8: {  	[dreg:$0x3] =	wrdreg s6  }
0xb9: {  	[dreg:$0x4] =	wrdreg $0xC0  }
0xba: {  	_ =	task [dreg:s22], $0x5FFFF  }
0xbb: {  	[dreg:$0x1] =	wrdreg $0xFFFFFFFF  }
0xbc: {  	[dreg:$0x0] =	wrdreg $0x60  }
0xbd: {  	[dreg:$0x2] =	wrdreg s18  }
0xbe: {  	[dreg:$0x3] =	wrdreg s24  }
0xbf: {  	[dreg:$0x4] =	wrdreg $0xA8000  }
0xc0: {  	[dreg:$0x5] =	wrdreg $0xA  }
0xc1: {  	_ =	task.clear_ibuf [dreg:s22], $0x6FFFF;
	_ =	strace $0x90000049  }
0xc2: {  	s29 =	simm.s32 $0xA;
	_ =	strace $0x8000004B  }
0xc3: {  	_ =	swait.ge [sflag:s29], $0x1  }
0xc4: {  	[sflag:s29] =	ssyncadd.s32 $0xFFFFFFFF  }
0xc5: {  	_ =	strace $0x9000004B  }
0xc6: {  	_ =	sfence  }
0xc7: {  	s30 =	sld [smem:$0x0];
	_ =	sdelay $0x2  }
0xc8: {  	s31 =	sshll.u32 s1, $0xD;
	s1 =	sshrl.u32 s1, $0x2  }
0xc9: {  	s4 =	sand.u32 $0x4000, s31;
	s1 =	sadd.s32 s1, s30  }
0xca: {  	s0 =	sor.u32 s4, s0;
	s1 =	sshll.u32 s1, $0x11  }
0xcb: {  	s0 =	sor.u32 s1, s0  }
0xcc: {  	s0 =	sadd.s32 $0x8F2B, s0  }
0xcd: {  	[sflag:s0] =	ssyncadd.remote.s32 $0x1  }
0xce: {  	_ =	sfence.sel $0xFFFF  }
0xcf: {  	[dreg:$0x0] =	wrdreg $0xFFFFFFFF;
	(pc) =	sbr.abs _section_cstart, $3  }
0xd0: {  	[dreg:$0x1] =	wrdreg $0xFFFFFFFF  }
0xd1: {  	_ =	task.clear_ibuf [dreg:s22], $0x2FFFF;
	_ =	strace $0x9FFFFFFF  }
0xd2: {  	(tm) =	ssettm $0x7FFFFFFF  }
0xd3: {  	_ =	shalt  }
tec
execute0_lowered:
.L_overlay_start_1:
0x0: {  	(tag) =	ssettag $0x1  }
0x1: {  	s0 =	rddreg [dreg:$0x0]  }
0x2: {  	s6 =	rddreg [dreg:$0x1];
	s1 =	srdreg.scid  }
0x3: {  	s3 =	rddreg [dreg:$0x2];
	s2 =	stileid.u32  }
0x4: {  	s4 =	simm.s32 $0x0;
	s16 =	simm.s32 $0x80;
	s17 =	simm.s32 $0x2800  }
0x5: {  	s18 =	simm.s32 $0x6800;
	s19 =	simm.s32 $0x1;
	s20 =	simm.s32 $0x2  }
0x6: {  	s21 =	simm.s32 $0x2700;
	s22 =	simm.s32 $0x2780;
	s23 =	simm.s32 $0x0  }
0x7: {  	s7 =	sand.u32 $0x1, s1;
	s1 =	rddreg [dreg:$0x3];
	s8 =	smul.u32 $0x14000, s2  }
0x8: {  	[smem:$0x7FF] =	sst s4;
	s11 =	sadd.s32 $0xC200, s6;
	s10 =	smul.u32 $0x50000, s2  }
0x9: {  	s12 =	sadd.s32 $0x2200, s6;
	s13 =	sshll.u32 s2, $0x6;
	s5 =	smul.u32 $0x140000, s7  }
0xa: {  	_ =	strace $0x8000004A;
	s9 =	ssub.s32 $0x2, s7;
	s7 =	sshll.u32 s7, $0x4  }
0xb: {  	s30 =	sshrl.u32 s9, $0x1;
	s7 =	sor.u32 s2, s7;
	s10 =	sshrl.u32 s10, $0x2  }
0xc: {  	s8 =	sadd.s32 s8, s5;
	s5 =	sadd.s32 $0x16200, s6;
	s14 =	smul.u32 $0x500, s7  }
0xd: {  	s9 =	ssub.s32 s9, s30;
	s15 =	sadd.s32 s10, s3;
	s8 =	sshrl.u32 s8, $0x3  }
0xe: {  	s8 =	sadd.s32 s8, s6;
	s6 =	sor.u32 $0x1C03, s13;
	s31 =	sadd.s32 $0x280, s14  }
0xf: {  	s10 =	sadd.s32 s12, s14;
	s13 =	sshrl.u32 s15, $0x3;
	s15 =	simm.s32 $0x1400  }
0x10: {  	s7 =	sadd.s32 $0x69200, s8;
	s8 =	smax.u32 s9, $0x1;
	s9 =	sadd.s32 s11, s14  }
0x11: {  	s11 =	sadd.s32 s11, s31;
	s12 =	sadd.s32 s12, s31;
	s14 =	simm.s32 $0x3  }
.LBB2_1:
0x12: {  	[spmem:s13], [sflag:s6] =	dma.local [hbm:s5], $0x2800  }
0x13: {  	_ =	swait.ge [sflag:s14], $0x2800  }
0x14: {  	[sflag:s14] =	ssyncset.done $0x0  }
0x15: {  	[sflag:s14] =	ssyncadd.s32 $0xFFFFD800  }
0x16: {  	[bflag:$0x0] =	sbarrier.arrive $0xFFFF  }
0x17: {  	[tilespmem:s4], [sflag:$0x3] =	stream.linear.gather [hbm4b:s9+s4], $0x1400, $0x38;
	[tilespmem:$0x1E800] =	vst v63  }
0x18: {  	_ =	swait.ge [sflag:s14], $0x1400  }
0x19: {  	[sflag:s14] =	ssyncset.done $0x0  }
0x1a: {  	[sflag:s14] =	ssyncadd.s32 $0xFFFFEC00  }
0x1b: {  	[tilespmem:s15], [sflag:$0x3] =	stream.linear.gather [hbm4b:s10+s4], $0x1400, $0x38;
	[tilespmem:$0x1E800] =	vst v63  }
0x1c: {  	_ =	swait.ge [sflag:s14], $0x1400  }
0x1d: {  	[sflag:s14] =	ssyncset.done $0x0  }
0x1e: {  	[sflag:s14] =	ssyncadd.s32 $0xFFFFEC00  }
0x1f: {  	[tilespmem:s17], [sflag:$0x1] =	stream.indirect.gather [hbm4b:s0+s16], $0x80, s4, s16, $0xb8;
	[tilespmem:$0x1E800] =	vst v63  }
0x20: {  	_ = 	snop  }
0x21: {  	[tilespmem:s18], [sflag:$0x2] =	stream.indirect.gather [hbm4b:s0+s16], $0x80, s16, s16, $0xb8;
	[tilespmem:$0x1E800] =	vst v63  }
0x22: {  	_ =	swait.ge [sflag:s19], $0x4000  }
0x23: {  	[sflag:s19] =	ssyncset.done $0x0  }
0x24: {  	s24 =	simm.s32 $0x1400;
	[sflag:s19] =	ssyncadd.s32 $0xFFFFC000  }
0x25: {  	[spmem:s3] =	stream.indirect.scatter.add.f32 [tilespmem:s17], [sflag:$0x3], $0x80, s24, s16, $0xb8;
	[tilespmem:$0x1E800] =	vst v63  }
0x26: {  	_ =	swait.ge [sflag:s14], $0x4000  }
0x27: {  	[sflag:s14] =	ssyncset.done $0x0  }
0x28: {  	s30 =	simm.s32 $0x100;
	[sflag:s14] =	ssyncadd.s32 $0xFFFFC000  }
0x29: {  	[tilespmem:s17], [sflag:$0x1] =	stream.indirect.gather [hbm4b:s0+s16], $0x80, s30, s16, $0xb8;
	[tilespmem:$0x1E800] =	vst v63  }
0x2a: {  	_ =	swait.ge [sflag:s20], $0x4000  }
0x2b: {  	[sflag:s20] =	ssyncset.done $0x0  }
0x2c: {  	s31 =	simm.s32 $0x1480;
	[sflag:s20] =	ssyncadd.s32 $0xFFFFC000  }
0x2d: {  	[spmem:s3] =	stream.indirect.scatter.add.f32 [tilespmem:s18], [sflag:$0x3], $0x80, s31, s16, $0xb8;
	[tilespmem:$0x1E800] =	vst v63  }
0x2e: {  	_ =	swait.ge [sflag:s14], $0x4000  }
0x2f: {  	[sflag:s14] =	ssyncset.done $0x0  }
0x30: {  	s25 =	simm.s32 $0x180;
	s24 =	simm.s32 $0x400;
	[sflag:s14] =	ssyncadd.s32 $0xFFFFC000  }
.LBB2_2:
0x31: {  	[tilespmem:s18], [sflag:$0x2] =	stream.indirect.gather [hbm4b:s0+s16], $0x80, s25, s16, $0xb8;
	[tilespmem:$0x1E800] =	vst v63  }
0x32: {  	s25 =	smov.u32 s24  }
0x33: {  	p0 =	sne.s32 s24, $0x4800;
	s24 =	sadd.s32 $0x400, s24;
	_ =	swait.ge [sflag:s19], $0x4000  }
0x34: {  	s25 =	sshra.s32 s25, $0x2;
	[sflag:s19] =	ssyncset.done $0x0  }
0x35: {  	s26 =	sadd.s32 $0x1400, s25;
	[sflag:s19] =	ssyncadd.s32 $0xFFFFC000  }
0x36: {  	[spmem:s3] =	stream.indirect.scatter.add.f32 [tilespmem:s17], [sflag:$0x3], $0x80, s26, s16, $0xb8;
	[tilespmem:$0x1E800] =	vst v63  }
0x37: {  	_ =	swait.ge [sflag:s14], $0x4000  }
0x38: {  	[sflag:s14] =	ssyncset.done $0x0  }
0x39: {  	s26 =	sadd.s32 $0x100, s25;
	[sflag:s14] =	ssyncadd.s32 $0xFFFFC000  }
0x3a: {  	[tilespmem:s17], [sflag:$0x1] =	stream.indirect.gather [hbm4b:s0+s16], $0x80, s26, s16, $0xb8;
	[tilespmem:$0x1E800] =	vst v63  }
0x3b: {  	_ =	swait.ge [sflag:s20], $0x4000  }
0x3c: {  	[sflag:s20] =	ssyncset.done $0x0  }
.Ltmp0:
0x3d: {  	s26 =	sadd.s32 $0x1480, s25;
	[sflag:s20] =	ssyncadd.s32 $0xFFFFC000;
	(pc) =	sbr.rel @p0 .LBB2_2-.Ltmp0, $4  }
0x3e: {  	[spmem:s3] =	stream.indirect.scatter.add.f32 [tilespmem:s18], [sflag:$0x3], $0x80, s26, s16, $0xb8;
	[tilespmem:$0x1E800] =	vst v63  }
0x3f: {  	_ =	swait.ge [sflag:s14], $0x4000  }
0x40: {  	[sflag:s14] =	ssyncset.done $0x0  }
0x41: {  	s25 =	sadd.s32 $0x180, s25;
	[sflag:s14] =	ssyncadd.s32 $0xFFFFC000  }
0x42: {  	[tilespmem:s18], [sflag:$0x2] =	stream.indirect.gather [hbm4b:s0+s16], $0x80, s25, s16, $0xb8;
	[tilespmem:$0x1E800] =	vst v63  }
0x43: {  	_ =	swait.ge [sflag:s19], $0x4000  }
0x44: {  	[sflag:s19] =	ssyncset.done $0x0  }
0x45: {  	[sflag:s19] =	ssyncadd.s32 $0xFFFFC000  }
0x46: {  	[spmem:s3] =	stream.indirect.scatter.add.f32 [tilespmem:s17], [sflag:$0x3], $0x80, s21, s16, $0xb8;
	[tilespmem:$0x1E800] =	vst v63  }
0x47: {  	_ =	swait.ge [sflag:s14], $0x4000  }
0x48: {  	[sflag:s14] =	ssyncset.done $0x0  }
0x49: {  	[sflag:s14] =	ssyncadd.s32 $0xFFFFC000  }
0x4a: {  	_ =	swait.ge [sflag:s20], $0x4000  }
0x4b: {  	[sflag:s20] =	ssyncset.done $0x0  }
0x4c: {  	[sflag:s20] =	ssyncadd.s32 $0xFFFFC000  }
0x4d: {  	[spmem:s3] =	stream.indirect.scatter.add.f32 [tilespmem:s18], [sflag:$0x3], $0x80, s22, s16, $0xb8;
	[tilespmem:$0x1E800] =	vst v63  }
0x4e: {  	_ =	swait.ge [sflag:s14], $0x4000  }
0x4f: {  	[sflag:s14] =	ssyncset.done $0x0  }
0x50: {  	s24 =	simm.s32 $0x0;
	[sflag:s14] =	ssyncadd.s32 $0xFFFFC000  }
0x51: {  	[tilespmem:s24], [sflag:$0x3] =	stream.linear.gather [hbm4b:s11+s24], $0x1400, $0x38;
	[tilespmem:$0x1E800] =	vst v63  }
0x52: {  	_ =	swait.ge [sflag:s14], $0x1400  }
0x53: {  	[sflag:s14] =	ssyncset.done $0x0  }
0x54: {  	[sflag:s14] =	ssyncadd.s32 $0xFFFFEC00  }
0x55: {  	[tilespmem:s15], [sflag:$0x3] =	stream.linear.gather [hbm4b:s12+s24], $0x1400, $0x38;
	[tilespmem:$0x1E800] =	vst v63  }
0x56: {  	_ =	swait.ge [sflag:s14], $0x1400  }
0x57: {  	[sflag:s14] =	ssyncset.done $0x0  }
0x58: {  	[sflag:s14] =	ssyncadd.s32 $0xFFFFEC00  }
0x59: {  	[tilespmem:s17], [sflag:$0x1] =	stream.indirect.gather [hbm4b:s0+s16], $0x80, s24, s16, $0xb8;
	[tilespmem:$0x1E800] =	vst v63  }
0x5a: {  	_ = 	snop  }
0x5b: {  	[tilespmem:s18], [sflag:$0x2] =	stream.indirect.gather [hbm4b:s0+s16], $0x80, s16, s16, $0xb8;
	[tilespmem:$0x1E800] =	vst v63  }
0x5c: {  	_ =	swait.ge [sflag:s19], $0x4000  }
0x5d: {  	[sflag:s19] =	ssyncset.done $0x0  }
0x5e: {  	s29 =	simm.s32 $0x1400;
	[sflag:s19] =	ssyncadd.s32 $0xFFFFC000  }
0x5f: {  	[spmem:s3] =	stream.indirect.scatter.add.f32 [tilespmem:s17], [sflag:$0x3], $0x80, s29, s16, $0xb8;
	[tilespmem:$0x1E800] =	vst v63  }
0x60: {  	_ =	swait.ge [sflag:s14], $0x4000  }
0x61: {  	[sflag:s14] =	ssyncset.done $0x0  }
0x62: {  	s30 =	simm.s32 $0x100;
	[sflag:s14] =	ssyncadd.s32 $0xFFFFC000  }
0x63: {  	[tilespmem:s17], [sflag:$0x1] =	stream.indirect.gather [hbm4b:s0+s16], $0x80, s30, s16, $0xb8;
	[tilespmem:$0x1E800] =	vst v63  }
0x64: {  	_ =	swait.ge [sflag:s20], $0x4000  }
0x65: {  	[sflag:s20] =	ssyncset.done $0x0  }
0x66: {  	s31 =	simm.s32 $0x1480;
	[sflag:s20] =	ssyncadd.s32 $0xFFFFC000  }
0x67: {  	[spmem:s3] =	stream.indirect.scatter.add.f32 [tilespmem:s18], [sflag:$0x3], $0x80, s31, s16, $0xb8;
	[tilespmem:$0x1E800] =	vst v63  }
0x68: {  	_ =	swait.ge [sflag:s14], $0x4000  }
0x69: {  	[sflag:s14] =	ssyncset.done $0x0  }
0x6a: {  	s25 =	simm.s32 $0x180;
	s24 =	simm.s32 $0x400;
	[sflag:s14] =	ssyncadd.s32 $0xFFFFC000  }
.LBB2_4:
0x6b: {  	[tilespmem:s18], [sflag:$0x2] =	stream.indirect.gather [hbm4b:s0+s16], $0x80, s25, s16, $0xb8;
	[tilespmem:$0x1E800] =	vst v63  }
0x6c: {  	s25 =	smov.u32 s24  }
0x6d: {  	p0 =	sne.s32 s24, $0x4800;
	s24 =	sadd.s32 $0x400, s24;
	_ =	swait.ge [sflag:s19], $0x4000  }
0x6e: {  	s25 =	sshra.s32 s25, $0x2;
	[sflag:s19] =	ssyncset.done $0x0  }
0x6f: {  	s26 =	sadd.s32 $0x1400, s25;
	[sflag:s19] =	ssyncadd.s32 $0xFFFFC000  }
0x70: {  	[spmem:s3] =	stream.indirect.scatter.add.f32 [tilespmem:s17], [sflag:$0x3], $0x80, s26, s16, $0xb8;
	[tilespmem:$0x1E800] =	vst v63  }
0x71: {  	_ =	swait.ge [sflag:s14], $0x4000  }
0x72: {  	[sflag:s14] =	ssyncset.done $0x0  }
0x73: {  	s26 =	sadd.s32 $0x100, s25;
	[sflag:s14] =	ssyncadd.s32 $0xFFFFC000  }
0x74: {  	[tilespmem:s17], [sflag:$0x1] =	stream.indirect.gather [hbm4b:s0+s16], $0x80, s26, s16, $0xb8;
	[tilespmem:$0x1E800] =	vst v63  }
0x75: {  	_ =	swait.ge [sflag:s20], $0x4000  }
0x76: {  	[sflag:s20] =	ssyncset.done $0x0  }
.Ltmp1:
0x77: {  	s26 =	sadd.s32 $0x1480, s25;
	[sflag:s20] =	ssyncadd.s32 $0xFFFFC000;
	(pc) =	sbr.rel @p0 .LBB2_4-.Ltmp1, $4  }
0x78: {  	[spmem:s3] =	stream.indirect.scatter.add.f32 [tilespmem:s18], [sflag:$0x3], $0x80, s26, s16, $0xb8;
	[tilespmem:$0x1E800] =	vst v63  }
0x79: {  	_ =	swait.ge [sflag:s14], $0x4000  }
0x7a: {  	[sflag:s14] =	ssyncset.done $0x0  }
0x7b: {  	s25 =	sadd.s32 $0x180, s25;
	[sflag:s14] =	ssyncadd.s32 $0xFFFFC000  }
0x7c: {  	[tilespmem:s18], [sflag:$0x2] =	stream.indirect.gather [hbm4b:s0+s16], $0x80, s25, s16, $0xb8;
	[tilespmem:$0x1E800] =	vst v63  }
0x7d: {  	_ =	swait.ge [sflag:s19], $0x4000  }
0x7e: {  	[sflag:s19] =	ssyncset.done $0x0  }
0x7f: {  	[sflag:s19] =	ssyncadd.s32 $0xFFFFC000  }
0x80: {  	[spmem:s3] =	stream.indirect.scatter.add.f32 [tilespmem:s17], [sflag:$0x3], $0x80, s21, s16, $0xb8;
	[tilespmem:$0x1E800] =	vst v63  }
0x81: {  	_ =	swait.ge [sflag:s14], $0x4000  }
0x82: {  	[sflag:s14] =	ssyncset.done $0x0  }
0x83: {  	[sflag:s14] =	ssyncadd.s32 $0xFFFFC000  }
0x84: {  	_ =	swait.ge [sflag:s20], $0x4000  }
0x85: {  	[sflag:s20] =	ssyncset.done $0x0  }
0x86: {  	[sflag:s20] =	ssyncadd.s32 $0xFFFFC000  }
0x87: {  	[spmem:s3] =	stream.indirect.scatter.add.f32 [tilespmem:s18], [sflag:$0x3], $0x80, s22, s16, $0xb8;
	[tilespmem:$0x1E800] =	vst v63  }
0x88: {  	_ =	swait.ge [sflag:s14], $0x4000  }
0x89: {  	s23 =	sadd.s32 $0x1, s23;
	[sflag:s14] =	ssyncset.done $0x0  }
0x8a: {  	p0 =	sne.s32 s23, s8;
	[sflag:s14] =	ssyncadd.s32 $0xFFFFC000  }
.Ltmp2:
0x8b: {  	[bflag:$0x0] =	sbarrier.arrive $0xFFFF;
	(pc) =	sbr.rel @p0 .LBB2_1-.Ltmp2, $4  }
0x8c: {  	[hbm:s7], [sflag:s6] =	dma.local [spmem:s13], $0x2800  }
0x8d: {  	_ =	swait.ge [sflag:s14], $0x2800  }
0x8e: {  	[sflag:s14] =	ssyncset.done $0x0  }
0x8f: {  	[sflag:s14] =	ssyncadd.s32 $0xFFFFD800  }
0x90: {  	_ =	sfence.sel $0x180000  }
0x91: {  	[bflag:$0x0] =	sbarrier.arrive $0xFFFF  }
0x92: {  	p0 =	sne.s32 s2, $0x0;
	_ =	strace $0x9000004A  }
0x93: {  	s0 =	sadd.s32 @!p0 $0x100000, s1;
	[bflag:$0x2] =	sbarrier.arrive $0xFFFF  }
0x94: {  	[sflag:s0] =	ssyncadd.tile.s32 @!p0 $0x1;
	_ =	shalt  }
.Lfunc_end2:
_tile_overlayer_lowered:
.L_overlay_start_2:
0x95: {  	(tag) =	ssettag $0x2  }
0x96: {  	s0 =	rddreg [dreg:$0x0];
	s2 =	stileid.u32  }
0x97: {  	s1 =	rddreg [dreg:$0x1];
	p0 =	sne.s32 s2, $0x0  }
0x98: {  	s3 =	rddreg [dreg:$0x2];
	[bflag:$0x3] =	sbarrier.arrive $0xFFFF;
	s2 =	simm.s32 @!p0 $0x1C03  }
0x99: {  	[timem:s3], [sflag:s2] =	dma.local @!p0 [hbm:s0], s1  }
0x9a: {  	s0 =	simm.s32 @!p0 $0x3  }
0x9b: {  	_ =	swait.ge @!p0 [sflag:s0], s1  }
0x9c: {  	s1 =	ssub.s32 @!p0 $0x0, s1;
	[sflag:s0] =	ssyncset.done @!p0 $0x0  }
0x9d: {  	[sflag:s0] =	ssyncadd.s32 @!p0 s1  }
0x9e: {  	[bflag:$0x3] =	sbarrier.arrive $0xFFFF  }
0x9f: {  	_ =	shalt  }

// kernel: kernel.15.cloned.1.call-start
scs
__scs_entry_jumppad:
0x0: {  	(pc) =	sbr.rel $0x88, $3  }
0x1: {  	(tag) =	ssettag $0x0;
	lr =	simm.s32 $0x1  }
0x2: {  	[smem:$0x3F9B] =	sst lr;
	_ =	strace $0xD0000000  }
0x3: {  	_ = 	snop  }
0x4: {  	_ = 	snop  }
0x5: {  	_ = 	snop  }
0x6: {  	_ = 	snop  }
0x7: {  	_ = 	snop  }
__scs_overlays_trampoline_lowered:
0x8: {  	[smem:$0x3FAA] =	sst s0  }
0x9: {  	[smem:$0x3FAB] =	sst s1  }
0xa: {  	[smem:$0x3FAC] =	sst s2  }
0xb: {  	[smem:$0x3FAD] =	sst s3  }
0xc: {  	[smem:$0x3FAE] =	sst s4  }
0xd: {  	[smem:$0x3FAF] =	sst s5  }
0xe: {  	[smem:$0x3FB0] =	sst s6  }
0xf: {  	[smem:$0x3FB1] =	sst s7  }
0x10: {  	[smem:$0x3FB2] =	sst s8  }
0x11: {  	[smem:$0x3FB3] =	sst s9;
	s0 =	simm.s32 @!p0 $0x0  }
0x12: {  	s1 =	sld [smem:$0x3F99];
	s0 =	simm.s32 @p0 $0x1  }
0x13: {  	[smem:$0x3FB4] =	sst s0;
	s0 =	simm.s32 @!p1 $0x0  }
0x14: {  	s2 =	sld [smem:$0x3F98];
	s0 =	simm.s32 @p1 $0x1  }
0x15: {  	[smem:$0x3FB5] =	sst s0;
	s0 =	simm.s32 @!p2 $0x0  }
0x16: {  	s3 =	sld [smem:$0x3FDB];
	s0 =	simm.s32 @p2 $0x1  }
0x17: {  	s4 =	simm.s32 $0x1BF5;
	[smem:$0x3FB7] =	sst s0  }
0x18: {  	s0 =	sld [smem:$0x3F9A];
	_ =	swait.ge [sflag:s4], $0x0  }
0x19: {  	s7 =	sld [smem:$0x3F9B]  }
0x1a: {  	s8 =	sadd.s32 $0xFFFFE003, lr  }
0x1b: {  	s9 =	sadd.s32 $0xFFFFFEF7, lr;
	s5 =	simm.s32 $0xFFFFFFFF;
	p2 =	slt.u32 s8, $0xFFFFF086  }
0x1c: {  	p1 =	slt.u32 s9, $0xF7A;
	s5 =	simm.s32 @!p2 $0x0  }
0x1d: {  	s5 =	simm.s32 @p1 $0x1;
	p0 =	seq.s32 s7, s2  }
0x1e: {  	s7 =	smul.u32 @!p0 $0xF7A, s2;
	p2 =	seq.s32 @!p0 s5, $0x0  }
0x1f: {  	s9 =	smul.u32 $0xF7A, s1;
	s8 =	simm.s32 @!p0 $0x1BF5;
	p2 =	por !p2, p0  }
0x20: {  	[sflag:s8] =	ssyncset.s32 @!p0 $0xFFFFF086;
	s6 =	sadd.s32 @!p0 s3, s7;
	s7 =	simm.s32 @!p0 $0x108  }
0x21: {  	s3 =	sadd.s32 s3, s9;
	s6 =	sadd.s32 @!p0 $0x88, s6;
	s7 =	simm.s32 @p2 $0x1082  }
0x22: {  	[simem:s7], [sflag:s8] =	dma.local @!p0 [hbm:s6], $0xF7A  }
0x23: {  	s9 =	sor.u32 $0xD0000000, s2;
	s6 =	simm.s32 $0x108;
	_ =	swait.ge @!p0 [sflag:s8], $0x0  }
0x24: {  	s3 =	sadd.s32 $0x88, s3;
	s6 =	simm.s32 @!p1 $0x1082;
	[sflag:s4] =	ssyncset.s32 $0xFFFFF086  }
0x25: {  	[simem:s6], [sflag:s4] =	dma.local [hbm:s3], $0xF7A  }
0x26: {  	[smem:$0x3F9B] =	sst s1;
	(tag) =	ssettag s2;
	_ =	strace s9  }
0x27: {  	s1 =	sld [smem:$0x3FAB]  }
0x28: {  	s2 =	sld [smem:$0x3FAC]  }
0x29: {  	s4 =	sld [smem:$0x3FAE]  }
0x2a: {  	p0 =	seq.s32 s5, $0x0;
	s5 =	sld [smem:$0x3FAF]  }
0x2b: {  	s6 =	sld [smem:$0x3FB0]  }
0x2c: {  	s7 =	sld [smem:$0x3FB1]  }
0x2d: {  	s3 =	simm.s32 $0x108;
	s8 =	sld [smem:$0x3FB2]  }
0x2e: {  	s3 =	simm.s32 @!p0 $0x1082;
	s9 =	sld [smem:$0x3FB3]  }
0x2f: {  	lr =	sadd.s32 s0, s3;
	s0 =	sld [smem:$0x3FAA]  }
0x30: {  	s3 =	sld [smem:$0x3FAD]  }
0x31: {  	[smem:$0x3FB6] =	sst s10  }
0x32: {  	s10 =	sld [smem:$0x3FB4];
	_ =	sdelay $0x3  }
0x33: {  	p0 =	seq.s32 s10, $0x1;
	s10 =	sld [smem:$0x3FB6];
	_ =	sdelay $0x3  }
0x34: {  	[smem:$0x3FB6] =	sst s10  }
0x35: {  	s10 =	sld [smem:$0x3FB5];
	_ =	sdelay $0x3  }
0x36: {  	p1 =	seq.s32 s10, $0x1;
	s10 =	sld [smem:$0x3FB6];
	_ =	sdelay $0x3  }
0x37: {  	[smem:$0x3FB6] =	sst s10  }
0x38: {  	s10 =	sld [smem:$0x3FB7]  }
0x39: {  	_ = 	snop;
	(pc) =	sbr.ind lr, $3  }
0x3a: {  	_ = 	snop  }
0x3b: {  	_ = 	snop  }
0x3c: {  	p2 =	seq.s32 s10, $0x1;
	s10 =	sld [smem:$0x3FB6]  }
0x3d: {  	_ =	shalt  }
0x3e: {  	_ =	shalt  }
0x3f: {  	_ =	shalt  }
0x40: {  	_ =	shalt  }
0x41: {  	_ =	shalt  }
0x42: {  	_ =	shalt  }
0x43: {  	_ =	shalt  }
0x44: {  	_ =	shalt  }
0x45: {  	_ =	shalt  }
0x46: {  	_ =	shalt  }
0x47: {  	_ =	shalt  }
0x48: {  	_ =	shalt  }
0x49: {  	_ =	shalt  }
0x4a: {  	_ =	shalt  }
0x4b: {  	_ =	shalt  }
0x4c: {  	_ =	shalt  }
0x4d: {  	_ =	shalt  }
0x4e: {  	_ =	shalt  }
0x4f: {  	_ =	shalt  }
0x50: {  	_ =	shalt  }
0x51: {  	_ =	shalt  }
0x52: {  	_ =	shalt  }
0x53: {  	_ =	shalt  }
0x54: {  	_ =	shalt  }
0x55: {  	_ =	shalt  }
0x56: {  	_ =	shalt  }
0x57: {  	_ =	shalt  }
0x58: {  	_ =	shalt  }
0x59: {  	_ =	shalt  }
0x5a: {  	_ =	shalt  }
0x5b: {  	_ =	shalt  }
0x5c: {  	_ =	shalt  }
0x5d: {  	_ =	shalt  }
0x5e: {  	_ =	shalt  }
0x5f: {  	_ =	shalt  }
0x60: {  	_ =	shalt  }
0x61: {  	_ =	shalt  }
0x62: {  	_ =	shalt  }
0x63: {  	_ =	shalt  }
0x64: {  	_ =	shalt  }
0x65: {  	_ =	shalt  }
0x66: {  	_ =	shalt  }
0x67: {  	_ =	shalt  }
0x68: {  	_ =	shalt  }
0x69: {  	_ =	shalt  }
0x6a: {  	_ =	shalt  }
0x6b: {  	_ =	shalt  }
0x6c: {  	_ =	shalt  }
0x6d: {  	_ =	shalt  }
0x6e: {  	_ =	shalt  }
0x6f: {  	_ =	shalt  }
0x70: {  	_ =	shalt  }
0x71: {  	_ =	shalt  }
0x72: {  	_ =	shalt  }
0x73: {  	_ =	shalt  }
0x74: {  	_ =	shalt  }
0x75: {  	_ =	shalt  }
0x76: {  	_ =	shalt  }
0x77: {  	_ =	shalt  }
0x78: {  	_ =	shalt  }
0x79: {  	_ =	shalt  }
0x7a: {  	_ =	shalt  }
0x7b: {  	_ =	shalt  }
0x7c: {  	_ =	shalt  }
0x7d: {  	_ =	shalt  }
0x7e: {  	_ =	shalt  }
0x7f: {  	_ =	shalt  }
0x80: {  	_ =	shalt  }
0x81: {  	_ =	shalt  }
0x82: {  	_ =	shalt  }
0x83: {  	_ =	shalt  }
0x84: {  	_ =	shalt  }
0x85: {  	_ =	shalt  }
0x86: {  	_ =	shalt  }
0x87: {  	_ =	shalt  }
.Lfunc_end0:
.L_simem_size_0:
called_computation.2_lowered:
.L_overlay_start_0:
0x88: {  	s2 =	sld [smem:$0x3FD9]  }
0x89: {  	s3 =	sld [smem:$0x3FFE];
	_ =	sdelay $0x1  }
0x8a: {  	s1 =	srdreg.scid  }
0x8b: {  	s0 =	sand.u32 $0x1, s1  }
0x8c: {  	s17 =	sshll.u32 s0, $0xA;
	s2 =	sadd.s32 s3, s2  }
0x8d: {  	s2 =	sadd.s32 s2, s17  }
0x8e: {  	[smem:$0x3FC2] =	sst s2  }
0x8f: {  	_ = 	snop  }
0x90: {  	s2 =	sld [smem:$0x3FD0];
	(tm) =	ssettm $0x1  }
0x91: {  	s18 =	sld [smem:$0x3FFB];
	_ =	sdelay $0x3  }
0x92: {  	_ =	strace s18  }
0x93: {  	s3 =	sld [smem:$0x3FFC];
	_ =	sdelay $0x3  }
0x94: {  	_ =	strace s3  }
0x95: {  	s3 =	sld [smem:$0x3FFD];
	_ =	sdelay $0x3  }
0x96: {  	_ =	strace s3  }
0x97: {  	_ =	strace $0x8FFFFFFF  }
0x98: {  	s19 =	sld [smem:$0x3FDB];
	_ =	sdelay $0x1  }
0x99: {  	s4 =	simm.s32 $_scs_section_size  }
0x9a: {  	s5 =	simm.s32 $_size__tile_overlayer_lowered;
	s6 =	simm.s32 $_tile_overlayer_lowered  }
0x9b: {  	s22 =	simm.s32 $0x1BFF;
	s21 =	sshll.u32 s6, $0x1;
	s3 =	sadd.s32 s4, s19  }
0x9c: {  	s7 =	simm.s32 $0x0;
	s20 =	sshll.u32 s5, $0x1;
	s5 =	sadd.s32 s21, s3  }
0x9d: {  	[timem:s7], [sflag:s22] =	dma.local [hbm:s5], s20  }
0x9e: {  	_ =	swait.ge [sflag:s22], s20  }
0x9f: {  	s4 =	ssub.s32 $0x0, s20;
	[sflag:s22] =	ssyncset.done $0x0  }
0xa0: {  	[sflag:s22] =	ssyncadd.s32 s4;
	_ =	sdelay $0x1  }
0xa1: {  	s23 =	simm.s32 $0x1B8B  }
0xa2: {  	_ =	swait.ge [sflag:s23], $0x1  }
0xa3: {  	[sflag:s23] =	ssyncset.done $0x0  }
0xa4: {  	s25 =	simm.s32 $0x1B8E;
	s24 =	sld [smem:$0x3FFE];
	[sflag:s23] =	ssyncadd.s32 $0xFFFFFFFF  }
0xa5: {  	s26 =	simm.s32 $execute0_lowered;
	[smem:$0x3FD2] =	sst s25  }
0xa6: {  	s5 =	sshll.u32 s26, $0x1;
	_ =	strace $0x8000004C;
	[dreg:$0x1] =	wrdreg $0xFFFFFFFF  }
0xa7: {  	s28 =	simm.s32 $_size_execute0_lowered;
	s3 =	sadd.s32 s3, s5;
	[dreg:$0x0] =	wrdreg $0x0  }
0xa8: {  	s5 =	sshll.u32 s28, $0x1;
	[dreg:$0x2] =	wrdreg s3  }
0xa9: {  	[dreg:$0x3] =	wrdreg s5  }
0xaa: {  	[dreg:$0x4] =	wrdreg $0xC0  }
0xab: {  	_ =	task [dreg:s7], $0x5FFFF  }
0xac: {  	[dreg:$0x1] =	wrdreg $0xFFFFFFFF  }
0xad: {  	[dreg:$0x0] =	wrdreg $0x60  }
0xae: {  	[dreg:$0x2] =	wrdreg s2  }
0xaf: {  	[dreg:$0x3] =	wrdreg s24  }
0xb0: {  	[dreg:$0x4] =	wrdreg $0xA8000  }
0xb1: {  	[dreg:$0x5] =	wrdreg $0x9  }
0xb2: {  	_ =	task.clear_ibuf [dreg:s7], $0x6FFFF;
	_ =	strace $0x9000004C  }
0xb3: {  	s29 =	simm.s32 $0x9;
	_ =	strace $0x8000004E  }
0xb4: {  	_ =	swait.ge [sflag:s29], $0x1  }
0xb5: {  	[sflag:s29] =	ssyncadd.s32 $0xFFFFFFFF  }
0xb6: {  	_ =	strace $0x9000004E  }
0xb7: {  	_ =	sfence  }
0xb8: {  	s30 =	sld [smem:$0x0];
	_ =	sdelay $0x2  }
0xb9: {  	s31 =	sshll.u32 s1, $0xD;
	s1 =	sshrl.u32 s1, $0x2  }
0xba: {  	s3 =	sand.u32 $0x4000, s31;
	s1 =	sadd.s32 s1, s30  }
0xbb: {  	s0 =	sor.u32 s3, s0;
	s1 =	sshll.u32 s1, $0x11  }
0xbc: {  	s0 =	sor.u32 s1, s0  }
0xbd: {  	s0 =	sadd.s32 $0x8F2B, s0  }
0xbe: {  	[sflag:s0] =	ssyncadd.remote.s32 $0x1  }
0xbf: {  	_ =	sfence.sel $0xFFFF  }
0xc0: {  	[dreg:$0x0] =	wrdreg $0xFFFFFFFF;
	(pc) =	sbr.abs _section_cstart, $3  }
0xc1: {  	[dreg:$0x1] =	wrdreg $0xFFFFFFFF  }
0xc2: {  	_ =	task.clear_ibuf [dreg:s7], $0x2FFFF;
	_ =	strace $0x9FFFFFFF  }
0xc3: {  	(tm) =	ssettm $0x7FFFFFFF  }
tec
execute0_lowered:
.L_overlay_start_1:
0x0: {  	(tag) =	ssettag $0x1  }
0x1: {  	s0 =	rddreg [dreg:$0x0]  }
0x2: {  	s6 =	rddreg [dreg:$0x1];
	s1 =	srdreg.scid  }
0x3: {  	s3 =	rddreg [dreg:$0x2];
	s2 =	stileid.u32  }
0x4: {  	s4 =	simm.s32 $0x0;
	s16 =	simm.s32 $0x80;
	s17 =	simm.s32 $0x2800  }
0x5: {  	s18 =	simm.s32 $0x6800;
	s19 =	simm.s32 $0x1;
	s20 =	simm.s32 $0x2  }
0x6: {  	s21 =	simm.s32 $0x2700;
	s22 =	simm.s32 $0x2780;
	s23 =	simm.s32 $0x0  }
0x7: {  	s7 =	sand.u32 $0x1, s1;
	s1 =	rddreg [dreg:$0x3];
	s8 =	smul.u32 $0x14000, s2  }
0x8: {  	[smem:$0x7FF] =	sst s4;
	s11 =	sadd.s32 $0xC200, s6;
	s10 =	smul.u32 $0x50000, s2  }
0x9: {  	s12 =	sadd.s32 $0x2200, s6;
	s13 =	sshll.u32 s2, $0x6;
	s5 =	smul.u32 $0x140000, s7  }
0xa: {  	_ =	strace $0x8000004D;
	s9 =	ssub.s32 $0x2, s7;
	s7 =	sshll.u32 s7, $0x4  }
0xb: {  	s30 =	sshrl.u32 s9, $0x1;
	s7 =	sor.u32 s2, s7;
	s10 =	sshrl.u32 s10, $0x2  }
0xc: {  	s8 =	sadd.s32 s8, s5;
	s5 =	sadd.s32 $0x16200, s6;
	s14 =	smul.u32 $0x500, s7  }
0xd: {  	s9 =	ssub.s32 s9, s30;
	s15 =	sadd.s32 s10, s3;
	s8 =	sshrl.u32 s8, $0x3  }
0xe: {  	s8 =	sadd.s32 s8, s6;
	s6 =	sor.u32 $0x1C03, s13;
	s31 =	sadd.s32 $0x280, s14  }
0xf: {  	s10 =	sadd.s32 s12, s14;
	s13 =	sshrl.u32 s15, $0x3;
	s15 =	simm.s32 $0x1400  }
0x10: {  	s7 =	sadd.s32 $0x18A00, s8;
	s8 =	smax.u32 s9, $0x1;
	s9 =	sadd.s32 s11, s14  }
0x11: {  	s11 =	sadd.s32 s11, s31;
	s12 =	sadd.s32 s12, s31;
	s14 =	simm.s32 $0x3  }
.LBB2_1:
0x12: {  	[spmem:s13], [sflag:s6] =	dma.local [hbm:s5], $0x2800  }
0x13: {  	_ =	swait.ge [sflag:s14], $0x2800  }
0x14: {  	[sflag:s14] =	ssyncset.done $0x0  }
0x15: {  	[sflag:s14] =	ssyncadd.s32 $0xFFFFD800  }
0x16: {  	[bflag:$0x0] =	sbarrier.arrive $0xFFFF  }
0x17: {  	[tilespmem:s4], [sflag:$0x3] =	stream.linear.gather [hbm4b:s9+s4], $0x1400, $0x38;
	[tilespmem:$0x1E800] =	vst v63  }
0x18: {  	_ =	swait.ge [sflag:s14], $0x1400  }
0x19: {  	[sflag:s14] =	ssyncset.done $0x0  }
0x1a: {  	[sflag:s14] =	ssyncadd.s32 $0xFFFFEC00  }
0x1b: {  	[tilespmem:s15], [sflag:$0x3] =	stream.linear.gather [hbm4b:s10+s4], $0x1400, $0x38;
	[tilespmem:$0x1E800] =	vst v63  }
0x1c: {  	_ =	swait.ge [sflag:s14], $0x1400  }
0x1d: {  	[sflag:s14] =	ssyncset.done $0x0  }
0x1e: {  	[sflag:s14] =	ssyncadd.s32 $0xFFFFEC00  }
0x1f: {  	[tilespmem:s17], [sflag:$0x1] =	stream.indirect.gather [hbm4b:s0+s16], $0x80, s4, s16, $0xb8;
	[tilespmem:$0x1E800] =	vst v63  }
0x20: {  	_ = 	snop  }
0x21: {  	[tilespmem:s18], [sflag:$0x2] =	stream.indirect.gather [hbm4b:s0+s16], $0x80, s16, s16, $0xb8;
	[tilespmem:$0x1E800] =	vst v63  }
0x22: {  	_ =	swait.ge [sflag:s19], $0x4000  }
0x23: {  	[sflag:s19] =	ssyncset.done $0x0  }
0x24: {  	s24 =	simm.s32 $0x1400;
	[sflag:s19] =	ssyncadd.s32 $0xFFFFC000  }
0x25: {  	[spmem:s3] =	stream.indirect.scatter.add.f32 [tilespmem:s17], [sflag:$0x3], $0x80, s24, s16, $0xb8;
	[tilespmem:$0x1E800] =	vst v63  }
0x26: {  	_ =	swait.ge [sflag:s14], $0x4000  }
0x27: {  	[sflag:s14] =	ssyncset.done $0x0  }
0x28: {  	s30 =	simm.s32 $0x100;
	[sflag:s14] =	ssyncadd.s32 $0xFFFFC000  }
0x29: {  	[tilespmem:s17], [sflag:$0x1] =	stream.indirect.gather [hbm4b:s0+s16], $0x80, s30, s16, $0xb8;
	[tilespmem:$0x1E800] =	vst v63  }
0x2a: {  	_ =	swait.ge [sflag:s20], $0x4000  }
0x2b: {  	[sflag:s20] =	ssyncset.done $0x0  }
0x2c: {  	s31 =	simm.s32 $0x1480;
	[sflag:s20] =	ssyncadd.s32 $0xFFFFC000  }
0x2d: {  	[spmem:s3] =	stream.indirect.scatter.add.f32 [tilespmem:s18], [sflag:$0x3], $0x80, s31, s16, $0xb8;
	[tilespmem:$0x1E800] =	vst v63  }
0x2e: {  	_ =	swait.ge [sflag:s14], $0x4000  }
0x2f: {  	[sflag:s14] =	ssyncset.done $0x0  }
0x30: {  	s25 =	simm.s32 $0x180;
	s24 =	simm.s32 $0x400;
	[sflag:s14] =	ssyncadd.s32 $0xFFFFC000  }
.LBB2_2:
0x31: {  	[tilespmem:s18], [sflag:$0x2] =	stream.indirect.gather [hbm4b:s0+s16], $0x80, s25, s16, $0xb8;
	[tilespmem:$0x1E800] =	vst v63  }
0x32: {  	s25 =	smov.u32 s24  }
0x33: {  	p0 =	sne.s32 s24, $0x4800;
	s24 =	sadd.s32 $0x400, s24;
	_ =	swait.ge [sflag:s19], $0x4000  }
0x34: {  	s25 =	sshra.s32 s25, $0x2;
	[sflag:s19] =	ssyncset.done $0x0  }
0x35: {  	s26 =	sadd.s32 $0x1400, s25;
	[sflag:s19] =	ssyncadd.s32 $0xFFFFC000  }
0x36: {  	[spmem:s3] =	stream.indirect.scatter.add.f32 [tilespmem:s17], [sflag:$0x3], $0x80, s26, s16, $0xb8;
	[tilespmem:$0x1E800] =	vst v63  }
0x37: {  	_ =	swait.ge [sflag:s14], $0x4000  }
0x38: {  	[sflag:s14] =	ssyncset.done $0x0  }
0x39: {  	s26 =	sadd.s32 $0x100, s25;
	[sflag:s14] =	ssyncadd.s32 $0xFFFFC000  }
0x3a: {  	[tilespmem:s17], [sflag:$0x1] =	stream.indirect.gather [hbm4b:s0+s16], $0x80, s26, s16, $0xb8;
	[tilespmem:$0x1E800] =	vst v63  }
0x3b: {  	_ =	swait.ge [sflag:s20], $0x4000  }
0x3c: {  	[sflag:s20] =	ssyncset.done $0x0  }
.Ltmp0:
0x3d: {  	s26 =	sadd.s32 $0x1480, s25;
	[sflag:s20] =	ssyncadd.s32 $0xFFFFC000;
	(pc) =	sbr.rel @p0 .LBB2_2-.Ltmp0, $4  }
0x3e: {  	[spmem:s3] =	stream.indirect.scatter.add.f32 [tilespmem:s18], [sflag:$0x3], $0x80, s26, s16, $0xb8;
	[tilespmem:$0x1E800] =	vst v63  }
0x3f: {  	_ =	swait.ge [sflag:s14], $0x4000  }
0x40: {  	[sflag:s14] =	ssyncset.done $0x0  }
0x41: {  	s25 =	sadd.s32 $0x180, s25;
	[sflag:s14] =	ssyncadd.s32 $0xFFFFC000  }
0x42: {  	[tilespmem:s18], [sflag:$0x2] =	stream.indirect.gather [hbm4b:s0+s16], $0x80, s25, s16, $0xb8;
	[tilespmem:$0x1E800] =	vst v63  }
0x43: {  	_ =	swait.ge [sflag:s19], $0x4000  }
0x44: {  	[sflag:s19] =	ssyncset.done $0x0  }
0x45: {  	[sflag:s19] =	ssyncadd.s32 $0xFFFFC000  }
0x46: {  	[spmem:s3] =	stream.indirect.scatter.add.f32 [tilespmem:s17], [sflag:$0x3], $0x80, s21, s16, $0xb8;
	[tilespmem:$0x1E800] =	vst v63  }
0x47: {  	_ =	swait.ge [sflag:s14], $0x4000  }
0x48: {  	[sflag:s14] =	ssyncset.done $0x0  }
0x49: {  	[sflag:s14] =	ssyncadd.s32 $0xFFFFC000  }
0x4a: {  	_ =	swait.ge [sflag:s20], $0x4000  }
0x4b: {  	[sflag:s20] =	ssyncset.done $0x0  }
0x4c: {  	[sflag:s20] =	ssyncadd.s32 $0xFFFFC000  }
0x4d: {  	[spmem:s3] =	stream.indirect.scatter.add.f32 [tilespmem:s18], [sflag:$0x3], $0x80, s22, s16, $0xb8;
	[tilespmem:$0x1E800] =	vst v63  }
0x4e: {  	_ =	swait.ge [sflag:s14], $0x4000  }
0x4f: {  	[sflag:s14] =	ssyncset.done $0x0  }
0x50: {  	s24 =	simm.s32 $0x0;
	[sflag:s14] =	ssyncadd.s32 $0xFFFFC000  }
0x51: {  	[tilespmem:s24], [sflag:$0x3] =	stream.linear.gather [hbm4b:s11+s24], $0x1400, $0x38;
	[tilespmem:$0x1E800] =	vst v63  }
0x52: {  	_ =	swait.ge [sflag:s14], $0x1400  }
0x53: {  	[sflag:s14] =	ssyncset.done $0x0  }
0x54: {  	[sflag:s14] =	ssyncadd.s32 $0xFFFFEC00  }
0x55: {  	[tilespmem:s15], [sflag:$0x3] =	stream.linear.gather [hbm4b:s12+s24], $0x1400, $0x38;
	[tilespmem:$0x1E800] =	vst v63  }
0x56: {  	_ =	swait.ge [sflag:s14], $0x1400  }
0x57: {  	[sflag:s14] =	ssyncset.done $0x0  }
0x58: {  	[sflag:s14] =	ssyncadd.s32 $0xFFFFEC00  }
0x59: {  	[tilespmem:s17], [sflag:$0x1] =	stream.indirect.gather [hbm4b:s0+s16], $0x80, s24, s16, $0xb8;
	[tilespmem:$0x1E800] =	vst v63  }
0x5a: {  	_ = 	snop  }
0x5b: {  	[tilespmem:s18], [sflag:$0x2] =	stream.indirect.gather [hbm4b:s0+s16], $0x80, s16, s16, $0xb8;
	[tilespmem:$0x1E800] =	vst v63  }
0x5c: {  	_ =	swait.ge [sflag:s19], $0x4000  }
0x5d: {  	[sflag:s19] =	ssyncset.done $0x0  }
0x5e: {  	s29 =	simm.s32 $0x1400;
	[sflag:s19] =	ssyncadd.s32 $0xFFFFC000  }
0x5f: {  	[spmem:s3] =	stream.indirect.scatter.add.f32 [tilespmem:s17], [sflag:$0x3], $0x80, s29, s16, $0xb8;
	[tilespmem:$0x1E800] =	vst v63  }
0x60: {  	_ =	swait.ge [sflag:s14], $0x4000  }
0x61: {  	[sflag:s14] =	ssyncset.done $0x0  }
0x62: {  	s30 =	simm.s32 $0x100;
	[sflag:s14] =	ssyncadd.s32 $0xFFFFC000  }
0x63: {  	[tilespmem:s17], [sflag:$0x1] =	stream.indirect.gather [hbm4b:s0+s16], $0x80, s30, s16, $0xb8;
	[tilespmem:$0x1E800] =	vst v63  }
0x64: {  	_ =	swait.ge [sflag:s20], $0x4000  }
0x65: {  	[sflag:s20] =	ssyncset.done $0x0  }
0x66: {  	s31 =	simm.s32 $0x1480;
	[sflag:s20] =	ssyncadd.s32 $0xFFFFC000  }
0x67: {  	[spmem:s3] =	stream.indirect.scatter.add.f32 [tilespmem:s18], [sflag:$0x3], $0x80, s31, s16, $0xb8;
	[tilespmem:$0x1E800] =	vst v63  }
0x68: {  	_ =	swait.ge [sflag:s14], $0x4000  }
0x69: {  	[sflag:s14] =	ssyncset.done $0x0  }
0x6a: {  	s25 =	simm.s32 $0x180;
	s24 =	simm.s32 $0x400;
	[sflag:s14] =	ssyncadd.s32 $0xFFFFC000  }
.LBB2_4:
0x6b: {  	[tilespmem:s18], [sflag:$0x2] =	stream.indirect.gather [hbm4b:s0+s16], $0x80, s25, s16, $0xb8;
	[tilespmem:$0x1E800] =	vst v63  }
0x6c: {  	s25 =	smov.u32 s24  }
0x6d: {  	p0 =	sne.s32 s24, $0x4800;
	s24 =	sadd.s32 $0x400, s24;
	_ =	swait.ge [sflag:s19], $0x4000  }
0x6e: {  	s25 =	sshra.s32 s25, $0x2;
	[sflag:s19] =	ssyncset.done $0x0  }
0x6f: {  	s26 =	sadd.s32 $0x1400, s25;
	[sflag:s19] =	ssyncadd.s32 $0xFFFFC000  }
0x70: {  	[spmem:s3] =	stream.indirect.scatter.add.f32 [tilespmem:s17], [sflag:$0x3], $0x80, s26, s16, $0xb8;
	[tilespmem:$0x1E800] =	vst v63  }
0x71: {  	_ =	swait.ge [sflag:s14], $0x4000  }
0x72: {  	[sflag:s14] =	ssyncset.done $0x0  }
0x73: {  	s26 =	sadd.s32 $0x100, s25;
	[sflag:s14] =	ssyncadd.s32 $0xFFFFC000  }
0x74: {  	[tilespmem:s17], [sflag:$0x1] =	stream.indirect.gather [hbm4b:s0+s16], $0x80, s26, s16, $0xb8;
	[tilespmem:$0x1E800] =	vst v63  }
0x75: {  	_ =	swait.ge [sflag:s20], $0x4000  }
0x76: {  	[sflag:s20] =	ssyncset.done $0x0  }
.Ltmp1:
0x77: {  	s26 =	sadd.s32 $0x1480, s25;
	[sflag:s20] =	ssyncadd.s32 $0xFFFFC000;
	(pc) =	sbr.rel @p0 .LBB2_4-.Ltmp1, $4  }
0x78: {  	[spmem:s3] =	stream.indirect.scatter.add.f32 [tilespmem:s18], [sflag:$0x3], $0x80, s26, s16, $0xb8;
	[tilespmem:$0x1E800] =	vst v63  }
0x79: {  	_ =	swait.ge [sflag:s14], $0x4000  }
0x7a: {  	[sflag:s14] =	ssyncset.done $0x0  }
0x7b: {  	s25 =	sadd.s32 $0x180, s25;
	[sflag:s14] =	ssyncadd.s32 $0xFFFFC000  }
0x7c: {  	[tilespmem:s18], [sflag:$0x2] =	stream.indirect.gather [hbm4b:s0+s16], $0x80, s25, s16, $0xb8;
	[tilespmem:$0x1E800] =	vst v63  }
0x7d: {  	_ =	swait.ge [sflag:s19], $0x4000  }
0x7e: {  	[sflag:s19] =	ssyncset.done $0x0  }
0x7f: {  	[sflag:s19] =	ssyncadd.s32 $0xFFFFC000  }
0x80: {  	[spmem:s3] =	stream.indirect.scatter.add.f32 [tilespmem:s17], [sflag:$0x3], $0x80, s21, s16, $0xb8;
	[tilespmem:$0x1E800] =	vst v63  }
0x81: {  	_ =	swait.ge [sflag:s14], $0x4000  }
0x82: {  	[sflag:s14] =	ssyncset.done $0x0  }
0x83: {  	[sflag:s14] =	ssyncadd.s32 $0xFFFFC000  }
0x84: {  	_ =	swait.ge [sflag:s20], $0x4000  }
0x85: {  	[sflag:s20] =	ssyncset.done $0x0  }
0x86: {  	[sflag:s20] =	ssyncadd.s32 $0xFFFFC000  }
0x87: {  	[spmem:s3] =	stream.indirect.scatter.add.f32 [tilespmem:s18], [sflag:$0x3], $0x80, s22, s16, $0xb8;
	[tilespmem:$0x1E800] =	vst v63  }
0x88: {  	_ =	swait.ge [sflag:s14], $0x4000  }
0x89: {  	s23 =	sadd.s32 $0x1, s23;
	[sflag:s14] =	ssyncset.done $0x0  }
0x8a: {  	p0 =	sne.s32 s23, s8;
	[sflag:s14] =	ssyncadd.s32 $0xFFFFC000  }
.Ltmp2:
0x8b: {  	[bflag:$0x0] =	sbarrier.arrive $0xFFFF;
	(pc) =	sbr.rel @p0 .LBB2_1-.Ltmp2, $4  }
0x8c: {  	[hbm:s7], [sflag:s6] =	dma.local [spmem:s13], $0x2800  }
0x8d: {  	_ =	swait.ge [sflag:s14], $0x2800  }
0x8e: {  	[sflag:s14] =	ssyncset.done $0x0  }
0x8f: {  	[sflag:s14] =	ssyncadd.s32 $0xFFFFD800  }
0x90: {  	_ =	sfence.sel $0x180000  }
0x91: {  	[bflag:$0x0] =	sbarrier.arrive $0xFFFF  }
0x92: {  	p0 =	sne.s32 s2, $0x0;
	_ =	strace $0x9000004D  }
0x93: {  	s0 =	sadd.s32 @!p0 $0x100000, s1;
	[bflag:$0x2] =	sbarrier.arrive $0xFFFF  }
0x94: {  	[sflag:s0] =	ssyncadd.tile.s32 @!p0 $0x1;
	_ =	shalt  }
.Lfunc_end2:
_tile_overlayer_lowered:
.L_overlay_start_2:
0x95: {  	(tag) =	ssettag $0x2  }
0x96: {  	s0 =	rddreg [dreg:$0x0];
	s2 =	stileid.u32  }
0x97: {  	s1 =	rddreg [dreg:$0x1];
	p0 =	sne.s32 s2, $0x0  }
0x98: {  	s3 =	rddreg [dreg:$0x2];
	[bflag:$0x3] =	sbarrier.arrive $0xFFFF;
	s2 =	simm.s32 @!p0 $0x1C03  }
0x99: {  	[timem:s3], [sflag:s2] =	dma.local @!p0 [hbm:s0], s1  }
0x9a: {  	s0 =	simm.s32 @!p0 $0x3  }
0x9b: {  	_ =	swait.ge @!p0 [sflag:s0], s1  }
0x9c: {  	s1 =	ssub.s32 @!p0 $0x0, s1;
	[sflag:s0] =	ssyncset.done @!p0 $0x0  }
0x9d: {  	[sflag:s0] =	ssyncadd.s32 @!p0 s1  }
0x9e: {  	[bflag:$0x3] =	sbarrier.arrive $0xFFFF  }
0x9f: {  	_ =	shalt  }

// kernel: kernel.9.cloned.1.call-start
scs
__scs_entry_jumppad:
0x0: {  	(pc) =	sbr.rel $0x88, $3  }
0x1: {  	(tag) =	ssettag $0x0;
	lr =	simm.s32 $0x1  }
0x2: {  	[smem:$0x3F9B] =	sst lr;
	_ =	strace $0xD0000000  }
0x3: {  	_ = 	snop  }
0x4: {  	_ = 	snop  }
0x5: {  	_ = 	snop  }
0x6: {  	_ = 	snop  }
0x7: {  	_ = 	snop  }
__scs_overlays_trampoline_lowered:
0x8: {  	[smem:$0x3FAA] =	sst s0  }
0x9: {  	[smem:$0x3FAB] =	sst s1  }
0xa: {  	[smem:$0x3FAC] =	sst s2  }
0xb: {  	[smem:$0x3FAD] =	sst s3  }
0xc: {  	[smem:$0x3FAE] =	sst s4  }
0xd: {  	[smem:$0x3FAF] =	sst s5  }
0xe: {  	[smem:$0x3FB0] =	sst s6  }
0xf: {  	[smem:$0x3FB1] =	sst s7  }
0x10: {  	[smem:$0x3FB2] =	sst s8  }
0x11: {  	[smem:$0x3FB3] =	sst s9;
	s0 =	simm.s32 @!p0 $0x0  }
0x12: {  	s1 =	sld [smem:$0x3F99];
	s0 =	simm.s32 @p0 $0x1  }
0x13: {  	[smem:$0x3FB4] =	sst s0;
	s0 =	simm.s32 @!p1 $0x0  }
0x14: {  	s2 =	sld [smem:$0x3F98];
	s0 =	simm.s32 @p1 $0x1  }
0x15: {  	[smem:$0x3FB5] =	sst s0;
	s0 =	simm.s32 @!p2 $0x0  }
0x16: {  	s3 =	sld [smem:$0x3FDB];
	s0 =	simm.s32 @p2 $0x1  }
0x17: {  	s4 =	simm.s32 $0x1BF5;
	[smem:$0x3FB7] =	sst s0  }
0x18: {  	s0 =	sld [smem:$0x3F9A];
	_ =	swait.ge [sflag:s4], $0x0  }
0x19: {  	s7 =	sld [smem:$0x3F9B]  }
0x1a: {  	s8 =	sadd.s32 $0xFFFFE003, lr  }
0x1b: {  	s9 =	sadd.s32 $0xFFFFFEF7, lr;
	s5 =	simm.s32 $0xFFFFFFFF;
	p2 =	slt.u32 s8, $0xFFFFF086  }
0x1c: {  	p1 =	slt.u32 s9, $0xF7A;
	s5 =	simm.s32 @!p2 $0x0  }
0x1d: {  	s5 =	simm.s32 @p1 $0x1;
	p0 =	seq.s32 s7, s2  }
0x1e: {  	s7 =	smul.u32 @!p0 $0xF7A, s2;
	p2 =	seq.s32 @!p0 s5, $0x0  }
0x1f: {  	s9 =	smul.u32 $0xF7A, s1;
	s8 =	simm.s32 @!p0 $0x1BF5;
	p2 =	por !p2, p0  }
0x20: {  	[sflag:s8] =	ssyncset.s32 @!p0 $0xFFFFF086;
	s6 =	sadd.s32 @!p0 s3, s7;
	s7 =	simm.s32 @!p0 $0x108  }
0x21: {  	s3 =	sadd.s32 s3, s9;
	s6 =	sadd.s32 @!p0 $0x88, s6;
	s7 =	simm.s32 @p2 $0x1082  }
0x22: {  	[simem:s7], [sflag:s8] =	dma.local @!p0 [hbm:s6], $0xF7A  }
0x23: {  	s9 =	sor.u32 $0xD0000000, s2;
	s6 =	simm.s32 $0x108;
	_ =	swait.ge @!p0 [sflag:s8], $0x0  }
0x24: {  	s3 =	sadd.s32 $0x88, s3;
	s6 =	simm.s32 @!p1 $0x1082;
	[sflag:s4] =	ssyncset.s32 $0xFFFFF086  }
0x25: {  	[simem:s6], [sflag:s4] =	dma.local [hbm:s3], $0xF7A  }
0x26: {  	[smem:$0x3F9B] =	sst s1;
	(tag) =	ssettag s2;
	_ =	strace s9  }
0x27: {  	s1 =	sld [smem:$0x3FAB]  }
0x28: {  	s2 =	sld [smem:$0x3FAC]  }
0x29: {  	s4 =	sld [smem:$0x3FAE]  }
0x2a: {  	p0 =	seq.s32 s5, $0x0;
	s5 =	sld [smem:$0x3FAF]  }
0x2b: {  	s6 =	sld [smem:$0x3FB0]  }
0x2c: {  	s7 =	sld [smem:$0x3FB1]  }
0x2d: {  	s3 =	simm.s32 $0x108;
	s8 =	sld [smem:$0x3FB2]  }
0x2e: {  	s3 =	simm.s32 @!p0 $0x1082;
	s9 =	sld [smem:$0x3FB3]  }
0x2f: {  	lr =	sadd.s32 s0, s3;
	s0 =	sld [smem:$0x3FAA]  }
0x30: {  	s3 =	sld [smem:$0x3FAD]  }
0x31: {  	[smem:$0x3FB6] =	sst s10  }
0x32: {  	s10 =	sld [smem:$0x3FB4];
	_ =	sdelay $0x3  }
0x33: {  	p0 =	seq.s32 s10, $0x1;
	s10 =	sld [smem:$0x3FB6];
	_ =	sdelay $0x3  }
0x34: {  	[smem:$0x3FB6] =	sst s10  }
0x35: {  	s10 =	sld [smem:$0x3FB5];
	_ =	sdelay $0x3  }
0x36: {  	p1 =	seq.s32 s10, $0x1;
	s10 =	sld [smem:$0x3FB6];
	_ =	sdelay $0x3  }
0x37: {  	[smem:$0x3FB6] =	sst s10  }
0x38: {  	s10 =	sld [smem:$0x3FB7]  }
0x39: {  	_ = 	snop;
	(pc) =	sbr.ind lr, $3  }
0x3a: {  	_ = 	snop  }
0x3b: {  	_ = 	snop  }
0x3c: {  	p2 =	seq.s32 s10, $0x1;
	s10 =	sld [smem:$0x3FB6]  }
0x3d: {  	_ =	shalt  }
0x3e: {  	_ =	shalt  }
0x3f: {  	_ =	shalt  }
0x40: {  	_ =	shalt  }
0x41: {  	_ =	shalt  }
0x42: {  	_ =	shalt  }
0x43: {  	_ =	shalt  }
0x44: {  	_ =	shalt  }
0x45: {  	_ =	shalt  }
0x46: {  	_ =	shalt  }
0x47: {  	_ =	shalt  }
0x48: {  	_ =	shalt  }
0x49: {  	_ =	shalt  }
0x4a: {  	_ =	shalt  }
0x4b: {  	_ =	shalt  }
0x4c: {  	_ =	shalt  }
0x4d: {  	_ =	shalt  }
0x4e: {  	_ =	shalt  }
0x4f: {  	_ =	shalt  }
0x50: {  	_ =	shalt  }
0x51: {  	_ =	shalt  }
0x52: {  	_ =	shalt  }
0x53: {  	_ =	shalt  }
0x54: {  	_ =	shalt  }
0x55: {  	_ =	shalt  }
0x56: {  	_ =	shalt  }
0x57: {  	_ =	shalt  }
0x58: {  	_ =	shalt  }
0x59: {  	_ =	shalt  }
0x5a: {  	_ =	shalt  }
0x5b: {  	_ =	shalt  }
0x5c: {  	_ =	shalt  }
0x5d: {  	_ =	shalt  }
0x5e: {  	_ =	shalt  }
0x5f: {  	_ =	shalt  }
0x60: {  	_ =	shalt  }
0x61: {  	_ =	shalt  }
0x62: {  	_ =	shalt  }
0x63: {  	_ =	shalt  }
0x64: {  	_ =	shalt  }
0x65: {  	_ =	shalt  }
0x66: {  	_ =	shalt  }
0x67: {  	_ =	shalt  }
0x68: {  	_ =	shalt  }
0x69: {  	_ =	shalt  }
0x6a: {  	_ =	shalt  }
0x6b: {  	_ =	shalt  }
0x6c: {  	_ =	shalt  }
0x6d: {  	_ =	shalt  }
0x6e: {  	_ =	shalt  }
0x6f: {  	_ =	shalt  }
0x70: {  	_ =	shalt  }
0x71: {  	_ =	shalt  }
0x72: {  	_ =	shalt  }
0x73: {  	_ =	shalt  }
0x74: {  	_ =	shalt  }
0x75: {  	_ =	shalt  }
0x76: {  	_ =	shalt  }
0x77: {  	_ =	shalt  }
0x78: {  	_ =	shalt  }
0x79: {  	_ =	shalt  }
0x7a: {  	_ =	shalt  }
0x7b: {  	_ =	shalt  }
0x7c: {  	_ =	shalt  }
0x7d: {  	_ =	shalt  }
0x7e: {  	_ =	shalt  }
0x7f: {  	_ =	shalt  }
0x80: {  	_ =	shalt  }
0x81: {  	_ =	shalt  }
0x82: {  	_ =	shalt  }
0x83: {  	_ =	shalt  }
0x84: {  	_ =	shalt  }
0x85: {  	_ =	shalt  }
0x86: {  	_ =	shalt  }
0x87: {  	_ =	shalt  }
.Lfunc_end0:
.L_simem_size_0:
called_computation_lowered:
.L_overlay_start_0:
0x88: {  	s2 =	sld [smem:$0x3FD9]  }
0x89: {  	s3 =	sld [smem:$0x3FFE];
	_ =	sdelay $0x1  }
0x8a: {  	s1 =	srdreg.scid  }
0x8b: {  	s0 =	sand.u32 $0x1, s1  }
0x8c: {  	s16 =	sshll.u32 s0, $0xA;
	s2 =	sadd.s32 s3, s2  }
0x8d: {  	s2 =	sadd.s32 s2, s16  }
0x8e: {  	[smem:$0x3FC2] =	sst s2  }
0x8f: {  	_ = 	snop  }
0x90: {  	(tm) =	ssettm $0x1  }
0x91: {  	s17 =	sld [smem:$0x3FFB];
	_ =	sdelay $0x3  }
0x92: {  	_ =	strace s17  }
0x93: {  	s2 =	sld [smem:$0x3FFC];
	_ =	sdelay $0x3  }
0x94: {  	_ =	strace s2  }
0x95: {  	s2 =	sld [smem:$0x3FFD];
	_ =	sdelay $0x3  }
0x96: {  	_ =	strace s2  }
0x97: {  	_ =	strace $0x8FFFFFFF  }
0x98: {  	s18 =	sld [smem:$0x3FDB];
	_ =	sdelay $0x1  }
0x99: {  	s19 =	simm.s32 $_scs_section_size  }
0x9a: {  	s4 =	simm.s32 $_size__tile_overlayer_lowered;
	s5 =	simm.s32 $_tile_overlayer_lowered  }
0x9b: {  	s22 =	simm.s32 $0x1BFF;
	s21 =	sshll.u32 s5, $0x1;
	s2 =	sadd.s32 s19, s18  }
0x9c: {  	s6 =	simm.s32 $0x0;
	s20 =	sshll.u32 s4, $0x1;
	s4 =	sadd.s32 s21, s2  }
0x9d: {  	[timem:s6], [sflag:s22] =	dma.local [hbm:s4], s20  }
0x9e: {  	_ =	swait.ge [sflag:s22], s20  }
0x9f: {  	s3 =	ssub.s32 $0x0, s20;
	[sflag:s22] =	ssyncset.done $0x0  }
0xa0: {  	[sflag:s22] =	ssyncadd.s32 s3;
	_ =	sdelay $0x1  }
0xa1: {  	s23 =	simm.s32 $0x1B8B  }
0xa2: {  	_ =	swait.ge [sflag:s23], $0x1  }
0xa3: {  	[sflag:s23] =	ssyncset.done $0x0  }
0xa4: {  	s25 =	simm.s32 $0x1B8E;
	s24 =	sld [smem:$0x3FFE];
	[sflag:s23] =	ssyncadd.s32 $0xFFFFFFFF  }
0xa5: {  	s26 =	simm.s32 $execute0_lowered;
	[smem:$0x3FD2] =	sst s25  }
0xa6: {  	s4 =	sshll.u32 s26, $0x1;
	_ =	strace $0x80000046;
	[dreg:$0x1] =	wrdreg $0xFFFFFFFF  }
0xa7: {  	s28 =	simm.s32 $_size_execute0_lowered;
	s2 =	sadd.s32 s2, s4;
	[dreg:$0x0] =	wrdreg $0x0  }
0xa8: {  	s4 =	sshll.u32 s28, $0x1;
	[dreg:$0x2] =	wrdreg s2  }
0xa9: {  	[dreg:$0x3] =	wrdreg s4  }
0xaa: {  	[dreg:$0x4] =	wrdreg $0xC0  }
0xab: {  	_ =	task [dreg:s6], $0x5FFFF  }
0xac: {  	[dreg:$0x1] =	wrdreg $0xFFFFFFFF  }
0xad: {  	[dreg:$0x0] =	wrdreg $0x60  }
0xae: {  	[dreg:$0x2] =	wrdreg s24  }
0xaf: {  	[dreg:$0x3] =	wrdreg $0x68000  }
0xb0: {  	[dreg:$0x4] =	wrdreg $0x9  }
0xb1: {  	_ =	task.clear_ibuf [dreg:s6], $0x5FFFF;
	_ =	strace $0x90000046  }
0xb2: {  	s29 =	simm.s32 $0x9;
	_ =	strace $0x80000048  }
0xb3: {  	_ =	swait.ge [sflag:s29], $0x1  }
0xb4: {  	[sflag:s29] =	ssyncadd.s32 $0xFFFFFFFF  }
0xb5: {  	_ =	strace $0x90000048  }
0xb6: {  	_ =	sfence  }
0xb7: {  	s30 =	sld [smem:$0x0];
	_ =	sdelay $0x2  }
0xb8: {  	s31 =	sshll.u32 s1, $0xD;
	s1 =	sshrl.u32 s1, $0x2  }
0xb9: {  	s3 =	sand.u32 $0x4000, s31;
	s1 =	sadd.s32 s1, s30  }
0xba: {  	s0 =	sor.u32 s3, s0;
	s1 =	sshll.u32 s1, $0x11  }
0xbb: {  	s0 =	sor.u32 s1, s0  }
0xbc: {  	s0 =	sadd.s32 $0x8F2B, s0  }
0xbd: {  	[sflag:s0] =	ssyncadd.remote.s32 $0x1  }
0xbe: {  	_ =	sfence.sel $0xFFFF  }
0xbf: {  	[dreg:$0x0] =	wrdreg $0xFFFFFFFF;
	(pc) =	sbr.abs _section_cstart, $3  }
0xc0: {  	[dreg:$0x1] =	wrdreg $0xFFFFFFFF  }
0xc1: {  	_ =	task.clear_ibuf [dreg:s6], $0x2FFFF;
	_ =	strace $0x9FFFFFFF  }
0xc2: {  	(tm) =	ssettm $0x7FFFFFFF  }
0xc3: {  	_ =	shalt  }
tec
execute0_lowered:
.L_overlay_start_1:
0x0: {  	(tag) =	ssettag $0x1  }
0x1: {  	s7 =	rddreg [dreg:$0x0]  }
0x2: {  	s0 =	srdreg.scid;
	s2 =	rddreg [dreg:$0x1];
	s3 =	simm.s32 $0x0  }
0x3: {  	s13 =	simm.s32 $0x80;
	s14 =	simm.s32 $0x1;
	s15 =	simm.s32 $0x2  }
0x4: {  	s16 =	simm.s32 $0x3;
	s17 =	simm.s32 $0x4;
	s6 =	sand.u32 $0x1, s0  }
0x5: {  	s18 =	simm.s32 $0x0;
	s0 =	stileid.u32;
	s5 =	smul.u32 $0x140000, s6  }
0x6: {  	[smem:$0x7FF] =	sst s3;
	s1 =	sshll.u32 s6, $0x4;
	s8 =	smul.u32 $0x14000, s0  }
0x7: {  	s10 =	smul.u32 $0x50000, s0;
	s6 =	ssub.s32 $0x2, s6;
	s1 =	sor.u32 s0, s1  }
0x8: {  	s11 =	sshll.u32 s0, $0x6;
	s31 =	sshrl.u32 s6, $0x1;
	s4 =	smul.u32 $0x500, s1  }
0x9: {  	s1 =	rddreg [dreg:$0x2];
	_ =	strace $0x80000047;
	s5 =	sadd.s32 s8, s5  }
0xa: {  	s10 =	sshrl.u32 s10, $0x2;
	s12 =	ssub.s32 s6, s31;
	s6 =	sor.u32 $0x1C05, s11  }
0xb: {  	s11 =	simm.s32 $0x5;
	s8 =	sshrl.u32 s5, $0x3;
	s5 =	sadd.s32 $0x16200, s7  }
0xc: {  	s10 =	sadd.s32 s10, s2;
	s9 =	sadd.s32 s4, s7;
	s4 =	sadd.s32 $0x18A00, s7  }
0xd: {  	s8 =	sadd.s32 s8, s7;
	s10 =	sshrl.u32 s10, $0x3;
	s7 =	sadd.s32 $0x2200, s9  }
0xe: {  	s8 =	sadd.s32 $0x19200, s8;
	s9 =	smax.u32 s12, $0x1;
	s12 =	simm.s32 $0x2800  }
.LBB2_1:
0xf: {  	[spmem:s10], [sflag:s6] =	dma.local [hbm:s5], $0x2800  }
0x10: {  	_ =	swait.ge [sflag:s11], $0x2800  }
0x11: {  	[sflag:s11] =	ssyncset.done $0x0  }
0x12: {  	[sflag:s11] =	ssyncadd.s32 $0xFFFFD800  }
0x13: {  	[tilespmem:s12], [sflag:$0x5] =	stream.linear.gather [hbm4b:s4+s3], $0x4000, $0x38;
	[tilespmem:$0x1A800] =	vst v63  }
0x14: {  	_ =	swait.ge [sflag:s11], $0x4000  }
0x15: {  	[sflag:s11] =	ssyncset.done $0x0  }
0x16: {  	[sflag:s11] =	ssyncadd.s32 $0xFFFFC000  }
0x17: {  	[tilespmem:s3], [sflag:$0x5] =	stream.linear.gather [hbm4b:s7+s3], $0x2800, $0x38;
	[tilespmem:$0x1A800] =	vst v63  }
0x18: {  	_ =	swait.ge [sflag:s11], $0x2800  }
0x19: {  	[sflag:s11] =	ssyncset.done $0x0  }
0x1a: {  	[sflag:s11] =	ssyncadd.s32 $0xFFFFD800  }
0x1b: {  	s19 =	simm.s32 $0x0;
	[bflag:$0x0] =	sbarrier.arrive $0xFFFF  }
0x1c: {  	[spmem:s2] =	stream.indirect.scatter.add.f32 [tilespmem:s12], [sflag:$0x1], $0x80, s19, s13, $0xb8;
	[tilespmem:$0x1A800] =	vst v63  }
0x1d: {  	s29 =	simm.s32 $0x80  }
0x1e: {  	[spmem:s2] =	stream.indirect.scatter.add.f32 [tilespmem:s12], [sflag:$0x2], $0x80, s29, s13, $0xb8;
	[tilespmem:$0x1A800] =	vst v63  }
0x1f: {  	s30 =	simm.s32 $0x100  }
0x20: {  	[spmem:s2] =	stream.indirect.scatter.add.f32 [tilespmem:s12], [sflag:$0x3], $0x80, s30, s13, $0xb8;
	[tilespmem:$0x1A800] =	vst v63  }
0x21: {  	s31 =	simm.s32 $0x180  }
0x22: {  	[spmem:s2] =	stream.indirect.scatter.add.f32 [tilespmem:s12], [sflag:$0x4], $0x80, s31, s13, $0xb8;
	[tilespmem:$0x1A800] =	vst v63  }
0x23: {  	_ =	swait.ge [sflag:s14], $0x4000  }
0x24: {  	[sflag:s14] =	ssyncset.done $0x0  }
0x25: {  	[sflag:s14] =	ssyncadd.s32 $0xFFFFC000  }
0x26: {  	_ =	swait.ge [sflag:s15], $0x4000  }
0x27: {  	[sflag:s15] =	ssyncset.done $0x0  }
0x28: {  	[sflag:s15] =	ssyncadd.s32 $0xFFFFC000  }
0x29: {  	_ =	swait.ge [sflag:s16], $0x4000  }
0x2a: {  	[sflag:s16] =	ssyncset.done $0x0  }
0x2b: {  	[sflag:s16] =	ssyncadd.s32 $0xFFFFC000  }
0x2c: {  	_ =	swait.ge [sflag:s17], $0x4000  }
0x2d: {  	s20 =	simm.s32 $0x1000;
	s19 =	simm.s32 $0x800;
	[sflag:s17] =	ssyncset.done $0x0  }
.LBB2_2:
0x2e: {  	s21 =	sshra.s32 s19, $0x2  }
0x2f: {  	[sflag:s17] =	ssyncadd.s32 $0xFFFFC000;
	s19 =	smov.u32 s20;
	s22 =	sadd.s32 $0x800, s20  }
0x30: {  	[spmem:s2] =	stream.indirect.scatter.add.f32 [tilespmem:s12], [sflag:$0x1], $0x80, s21, s13, $0xb8;
	[tilespmem:$0x1A800] =	vst v63  }
0x31: {  	p0 =	sne.s32 s20, $0x9800;
	s20 =	sadd.s32 $0x80, s21  }
0x32: {  	[spmem:s2] =	stream.indirect.scatter.add.f32 [tilespmem:s12], [sflag:$0x2], $0x80, s20, s13, $0xb8;
	[tilespmem:$0x1A800] =	vst v63  }
0x33: {  	s20 =	sadd.s32 $0x100, s21  }
0x34: {  	[spmem:s2] =	stream.indirect.scatter.add.f32 [tilespmem:s12], [sflag:$0x3], $0x80, s20, s13, $0xb8;
	[tilespmem:$0x1A800] =	vst v63  }
0x35: {  	s20 =	sadd.s32 $0x180, s21  }
0x36: {  	[spmem:s2] =	stream.indirect.scatter.add.f32 [tilespmem:s12], [sflag:$0x4], $0x80, s20, s13, $0xb8;
	[tilespmem:$0x1A800] =	vst v63  }
0x37: {  	_ =	swait.ge [sflag:s14], $0x4000  }
0x38: {  	[sflag:s14] =	ssyncset.done $0x0  }
0x39: {  	[sflag:s14] =	ssyncadd.s32 $0xFFFFC000  }
0x3a: {  	_ =	swait.ge [sflag:s15], $0x4000  }
0x3b: {  	[sflag:s15] =	ssyncset.done $0x0  }
0x3c: {  	[sflag:s15] =	ssyncadd.s32 $0xFFFFC000  }
.Ltmp0:
0x3d: {  	_ =	swait.ge [sflag:s16], $0x4000;
	(pc) =	sbr.rel @p0 .LBB2_2-.Ltmp0, $4  }
0x3e: {  	[sflag:s16] =	ssyncset.done $0x0  }
0x3f: {  	[sflag:s16] =	ssyncadd.s32 $0xFFFFC000  }
0x40: {  	_ =	swait.ge [sflag:s17], $0x4000  }
0x41: {  	s20 =	smov.u32 s22;
	[sflag:s17] =	ssyncset.done $0x0  }
0x42: {  	s19 =	sshra.s32 s19, $0x2;
	[sflag:s17] =	ssyncadd.s32 $0xFFFFC000  }
0x43: {  	[spmem:s2] =	stream.indirect.scatter.add.f32 [tilespmem:s12], [sflag:$0x1], $0x80, s19, s13, $0xb8;
	[tilespmem:$0x1A800] =	vst v63  }
0x44: {  	s20 =	sadd.s32 $0x80, s19  }
0x45: {  	[spmem:s2] =	stream.indirect.scatter.add.f32 [tilespmem:s12], [sflag:$0x2], $0x80, s20, s13, $0xb8;
	[tilespmem:$0x1A800] =	vst v63  }
0x46: {  	s31 =	sadd.s32 $0x100, s19  }
0x47: {  	[spmem:s2] =	stream.indirect.scatter.add.f32 [tilespmem:s12], [sflag:$0x3], $0x80, s31, s13, $0xb8;
	[tilespmem:$0x1A800] =	vst v63  }
0x48: {  	s19 =	sadd.s32 $0x180, s19  }
0x49: {  	[spmem:s2] =	stream.indirect.scatter.add.f32 [tilespmem:s12], [sflag:$0x4], $0x80, s19, s13, $0xb8;
	[tilespmem:$0x1A800] =	vst v63  }
0x4a: {  	_ =	swait.ge [sflag:s14], $0x4000  }
0x4b: {  	[sflag:s14] =	ssyncset.done $0x0  }
0x4c: {  	[sflag:s14] =	ssyncadd.s32 $0xFFFFC000  }
0x4d: {  	_ =	swait.ge [sflag:s15], $0x4000  }
0x4e: {  	[sflag:s15] =	ssyncset.done $0x0  }
0x4f: {  	[sflag:s15] =	ssyncadd.s32 $0xFFFFC000  }
0x50: {  	_ =	swait.ge [sflag:s16], $0x4000  }
0x51: {  	[sflag:s16] =	ssyncset.done $0x0  }
0x52: {  	[sflag:s16] =	ssyncadd.s32 $0xFFFFC000  }
0x53: {  	_ =	swait.ge [sflag:s17], $0x4000  }
0x54: {  	s18 =	sadd.s32 $0x1, s18;
	[sflag:s17] =	ssyncset.done $0x0  }
0x55: {  	p0 =	sne.s32 s18, s9;
	[sflag:s17] =	ssyncadd.s32 $0xFFFFC000  }
.Ltmp1:
0x56: {  	[bflag:$0x0] =	sbarrier.arrive $0xFFFF;
	(pc) =	sbr.rel @p0 .LBB2_1-.Ltmp1, $4  }
0x57: {  	[hbm:s8], [sflag:s6] =	dma.local [spmem:s10], $0x2800  }
0x58: {  	_ =	swait.ge [sflag:s11], $0x2800  }
0x59: {  	[sflag:s11] =	ssyncset.done $0x0  }
0x5a: {  	[sflag:s11] =	ssyncadd.s32 $0xFFFFD800  }
0x5b: {  	_ =	sfence.sel $0x180000  }
0x5c: {  	[bflag:$0x0] =	sbarrier.arrive $0xFFFF  }
0x5d: {  	p0 =	sne.s32 s0, $0x0;
	_ =	strace $0x90000047  }
0x5e: {  	s0 =	sadd.s32 @!p0 $0x100000, s1;
	[bflag:$0x2] =	sbarrier.arrive $0xFFFF  }
0x5f: {  	[sflag:s0] =	ssyncadd.tile.s32 @!p0 $0x1;
	_ =	shalt  }
.Lfunc_end2:
_tile_overlayer_lowered:
.L_overlay_start_2:
0x60: {  	(tag) =	ssettag $0x2  }
0x61: {  	s0 =	rddreg [dreg:$0x0];
	s2 =	stileid.u32  }
0x62: {  	s1 =	rddreg [dreg:$0x1];
	p0 =	sne.s32 s2, $0x0  }
0x63: {  	s3 =	rddreg [dreg:$0x2];
	[bflag:$0x3] =	sbarrier.arrive $0xFFFF;
	s2 =	simm.s32 @!p0 $0x1C05  }
0x64: {  	[timem:s3], [sflag:s2] =	dma.local @!p0 [hbm:s0], s1  }
0x65: {  	s0 =	simm.s32 @!p0 $0x5  }
0x66: {  	_ =	swait.ge @!p0 [sflag:s0], s1  }
0x67: {  	s1 =	ssub.s32 @!p0 $0x0, s1;
	[sflag:s0] =	ssyncset.done @!p0 $0x0  }
0x68: {  	[sflag:s0] =	ssyncadd.s32 @!p0 s1  }
0x69: {  	[bflag:$0x3] =	sbarrier.arrive $0xFFFF  }
0x6a: {  	_ =	shalt  }

</sc_bundles>
